<compile_context>
chip_gen: v7x
topology: tpu7x:2x2x1
jax: 0.10.2.dev20260603
libtpu: 0.0.44.dev20260713+nightly
codegen_flags: <defaults>
</compile_context>

<pallas_src>
import functools

import numpy as np
import jax
import jax.numpy as jnp
from jax import lax
from jax.experimental import pallas as pl
from jax.experimental.pallas import tpu as pltpu
from jax.experimental.pallas import tpu_sc as plsc

N_NODES = 10000
C = 128
N_EDGES = 320000
NPAD = 10240
NC, NS = 2, 16
NW = NC * NS
CHUNK = 128
CH = 80
SLAB = 16
GROUP = 2
NSLAB = CH // SLAB
EPT = CH * CHUNK
EPAD = NW * EPT
DUMMY = NPAD - 1
BN = 1280
STRIPE = NPAD // NS

def _mask_scale():
    keep = jax.random.bernoulli(jax.random.key(42), 1.0 - 0.2, (N_NODES, C))
    scale = jnp.float32(1.0) / jnp.float32(1.0 - 0.2)
    m = jnp.where(keep, scale, jnp.float32(0.0))
    return jnp.pad(m, ((0, NPAD - N_NODES), (0, 0)))


def _sc_mesh():
    return plsc.VectorSubcoreMesh(
        core_axis_name="c", subcore_axis_name="s", num_cores=NC, num_subcores=NS
    )


def _deg_partials(col3):

    @functools.partial(
        pl.kernel,
        out_type=jax.ShapeDtypeStruct((NW, NPAD), jnp.float32),
        mesh=_sc_mesh(),
        scratch_types=[
            pltpu.VMEM((CH, CHUNK), jnp.int32),
            pltpu.VMEM((NPAD,), jnp.float32),
        ],
        compiler_params=pltpu.CompilerParams(needs_layout_passes=False),
    )
    def k(col_hbm, out_hbm, colbuf, hist):
        cid = lax.axis_index("c")
        sid = lax.axis_index("s")
        wid = cid * NS + sid
        z16 = jnp.zeros((16,), jnp.float32)

        def zero_body(i, carry):
            hist[pl.ds(i * 16, 16)] = z16
            return carry

        lax.fori_loop(0, NPAD // 16, zero_body, 0)
        pltpu.sync_copy(col_hbm.at[wid], colbuf)
        ones16 = jnp.ones((16,), jnp.float32)

        def edge_body(e, carry):
            j = e // (CHUNK // 16)
            q = e % (CHUNK // 16)
            idx = colbuf[j, pl.ds(q * 16, 16)]
            plsc.addupdate_scatter(hist, [idx], ones16)
            return carry

        lax.fori_loop(0, CH * (CHUNK // 16), edge_body, 0)
        pltpu.sync_copy(hist, out_hbm.at[wid])

    return k(col3)


def _dense(xp, mp, W, parts):

    def body(x_ref, m_ref, w_ref, p_ref, h2_ref, dis_ref):
        ones = jnp.ones((NW, 1), jnp.float32)
        deg = (
            lax.dot_general(
                p_ref[...], ones, (((0,), (0,)), ((), ())),
                preferred_element_type=jnp.float32,
            )
            + 1.0
        )
        dis = lax.rsqrt(deg)
        h = jnp.dot(
            x_ref[...] * m_ref[...], w_ref[...],
            preferred_element_type=jnp.float32,
        )
        h2_ref[...] = dis * h
        dis_ref[...] = dis

    return pl.pallas_call(
        body,
        grid=(NPAD // BN,),
        in_specs=[
            pl.BlockSpec((BN, C), lambda i: (i, 0)),
            pl.BlockSpec((BN, C), lambda i: (i, 0)),
            pl.BlockSpec((C, C), lambda i: (0, 0)),
            pl.BlockSpec((NW, BN), lambda i: (0, i)),
        ],
        out_specs=[
            pl.BlockSpec((BN, C), lambda i: (i, 0)),
            pl.BlockSpec((BN, 1), lambda i: (i, 0)),
        ],
        out_shape=[
            jax.ShapeDtypeStruct((NPAD, C), jnp.float32),
            jax.ShapeDtypeStruct((NPAD, 1), jnp.float32),
        ],
    )(xp, mp, W, parts)


def _edge_accumulate(h2, row3, col3):

    @functools.partial(
        pl.kernel,
        out_type=jax.ShapeDtypeStruct((NC, NPAD, C), jnp.float32),
        mesh=_sc_mesh(),
        scratch_types=[
            pltpu.VMEM((2, SLAB, CHUNK), jnp.int32),
            pltpu.VMEM((2, SLAB, CHUNK), jnp.int32),
            pltpu.VMEM((2, CHUNK, C), jnp.float32),
            pltpu.VMEM_SHARED((NPAD, C), jnp.float32),
            pltpu.SemaphoreType.DMA,
        ],
        compiler_params=pltpu.CompilerParams(needs_layout_passes=False),
    )
    def k(h2_hbm, row_hbm, col_hbm, out_hbm, rowbuf, colbuf, gbuf2, acc, sem):
        cid = lax.axis_index("c")
        sid = lax.axis_index("s")
        wid = cid * NS + sid
        z16 = jnp.zeros((16,), jnp.float32)

        def zbuf_body(i, carry):
            r = i // (C // 16)
            q = i % (C // 16)
            gbuf2[0, r, pl.ds(q * 16, 16)] = z16
            return carry

        lax.fori_loop(0, CHUNK * (C // 16), zbuf_body, 0)

        def zacc_body(i, carry):
            pltpu.sync_copy(
                gbuf2.at[0], acc.at[pl.ds(sid * STRIPE + i * CHUNK, CHUNK)]
            )
            return carry

        lax.fori_loop(0, STRIPE // CHUNK, zacc_body, 0)

        def load_slab(s):
            buf = s % 2
            pltpu.sync_copy(row_hbm.at[wid, pl.ds(s * SLAB, SLAB)], rowbuf.at[buf])
            pltpu.sync_copy(col_hbm.at[wid, pl.ds(s * SLAB, SLAB)], colbuf.at[buf])

        load_slab(0)
        plsc.subcore_barrier()

        def start_gather(j):
            pltpu.async_copy(
                h2_hbm.at[rowbuf.at[(j // SLAB) % 2, j % SLAB]],
                gbuf2.at[j % 2],
                sem,
            )

        for j in range(2):
            start_gather(j)

        def edge_body(j, carry):
            @pl.when(jnp.logical_and(j % SLAB == 0, (j // SLAB) + 1 < NSLAB))
            def _():
                load_slab((j // SLAB) + 1)

            slot = j % 2
            pltpu.make_async_copy(
                h2_hbm.at[rowbuf.at[(j // SLAB) % 2, j % SLAB]],
                gbuf2.at[slot],
                sem,
            ).wait()
            pltpu.sync_copy(
                gbuf2.at[slot],
                acc.at[colbuf.at[(j // SLAB) % 2, j % SLAB]],
                add=True,
            )

            @pl.when(j + 2 < CH)
            def _():
                start_gather(j + 2)

            return carry

        lax.fori_loop(0, CH, edge_body, 0)
        plsc.subcore_barrier()
        pltpu.sync_copy(
            acc.at[pl.ds(sid * STRIPE, STRIPE)],
            out_hbm.at[cid, pl.ds(sid * STRIPE, STRIPE)],
        )

    return k(h2, row3, col3)


def _finalize(acc_parts, h2, dis, b2):

    def body(a_ref, h2_ref, dis_ref, b_ref, y_ref):
        s = a_ref[0] + a_ref[1] + h2_ref[...]
        out = jnp.maximum(dis_ref[...] * s + b_ref[...], 0.0)
        nrm = jnp.sqrt(jnp.sum(out * out, axis=1, keepdims=True))
        y_ref[...] = out / jnp.maximum(nrm, 1e-12)

    return pl.pallas_call(
        body,
        grid=(NPAD // BN,),
        in_specs=[
            pl.BlockSpec((NC, BN, C), lambda i: (0, i, 0)),
            pl.BlockSpec((BN, C), lambda i: (i, 0)),
            pl.BlockSpec((BN, 1), lambda i: (i, 0)),
            pl.BlockSpec((1, C), lambda i: (0, 0)),
        ],
        out_specs=pl.BlockSpec((BN, C), lambda i: (i, 0)),
        out_shape=jax.ShapeDtypeStruct((NPAD, C), jnp.float32),
    )(acc_parts, h2, dis, b2)


def kernel(x, edge_index, W, b):
    xp = jnp.pad(x.astype(jnp.float32), ((0, NPAD - N_NODES), (0, 0)))
    mp = _mask_scale()
    pad_idx = N_NODES + jnp.arange(EPAD - N_EDGES, dtype=jnp.int32) % (
        NPAD - N_NODES
    )
    rowp = jnp.concatenate([edge_index[0], pad_idx]).reshape(NW, CH, CHUNK)
    colp = jnp.concatenate([edge_index[1], pad_idx]).reshape(NW, CH, CHUNK)

    parts = _deg_partials(colp)
    h2, dis = _dense(xp, mp, W.astype(jnp.float32), parts)
    acc_parts = _edge_accumulate(h2, rowp, colp)
    y = _finalize(acc_parts, h2, dis, b.reshape(1, C).astype(jnp.float32))
    return y[:N_NODES]

# --- scband reference (transcript-rebuilt; emitter-appended) ---
"""Pipeline reference for scband-edge-type-spec-gcnlayer-43215960932827 (READ-ONLY COPY).

The authoritative reference and input builder live on the scoring server;
editing this copy changes nothing except your own understanding.
"""

import jax, jax.numpy as jnp
import numpy as np

N_NODES = 10000
IN_C = 128
OUT_C = 128
N_EDGES = 320000
DROPOUT_P = 0.2


def setup_inputs(seed: int = 0) -> dict:
    key = jax.random.key(seed)
    k1, k2, k3 = jax.random.split(key, 3)
    x = jax.random.normal(k1, (N_NODES, IN_C), dtype=jnp.float32)
    edge_index = jax.random.randint(k2, (2, N_EDGES), 0, N_NODES, dtype=jnp.int32)
    # GCNConv learned parameters (glorot-style init)
    W = jax.random.normal(k3, (IN_C, OUT_C), dtype=jnp.float32) * (1.0 / np.sqrt(IN_C))
    b = jnp.zeros((OUT_C,), dtype=jnp.float32)
    return {"x": x, "edge_index": edge_index, "W": W, "b": b}


def _dropout(x, key, p=DROPOUT_P):
    # F.dropout(..., training=True): deterministic here via fixed key
    keep = jax.random.bernoulli(key, 1.0 - p, x.shape)
    return jnp.where(keep, x / (1.0 - p), jnp.zeros_like(x))


def _gcn_conv(x, edge_index, W, b):
    # PyG GCNConv with add_self_loops=True, symmetric normalization
    n = x.shape[0]
    loop = jnp.arange(n, dtype=edge_index.dtype)
    row = jnp.concatenate([edge_index[0], loop])  # source
    col = jnp.concatenate([edge_index[1], loop])  # destination
    deg = jnp.zeros((n,), dtype=x.dtype).at[col].add(jnp.ones((row.shape[0],), dtype=x.dtype))
    deg_inv_sqrt = jnp.where(deg > 0, jax.lax.rsqrt(jnp.maximum(deg, 1e-12)), 0.0)
    norm = deg_inv_sqrt[row] * deg_inv_sqrt[col]
    h = x @ W
    msgs = jnp.take(h, row, axis=0) * norm[:, None]
    out = jnp.zeros((n, h.shape[1]), dtype=x.dtype).at[col].add(msgs)
    return out + b


def reference(x, edge_index, W, b):
    # edge_type='gene_gene': source==target=='gene', single edge_index in the list
    n = x.shape[0]
    output = jnp.zeros((n, OUT_C), dtype=jnp.float32)
    dkey = jax.random.key(42)
    x1 = _dropout(x.astype(jnp.float32), dkey)
    x1 = jax.nn.relu(_gcn_conv(x1, edge_index, W, b))
    output = output + x1
    # F.normalize(dim=1, p=2)
    nrm = jnp.linalg.norm(output, ord=2, axis=1, keepdims=True)
    return output / jnp.maximum(nrm, 1e-12)

if __name__ == "__main__":
    import jax
    _d = setup_inputs()
    print(jax.jit(kernel)(*tuple(_d.values())))

</pallas_src>

<mosaic_0001>
#map = affine_map<(d0, d1) -> (0, 0, 0)>
#map1 = affine_map<(d0, d1) -> (0, 0)>
module attributes {stable_mosaic.version = 14 : i64} {
  func.func @k(%arg0: i32, %arg1: i32, %arg2: memref<32x80x128xi32, #tpu.memory_space<hbm>>, %arg3: memref<32x10240xf32, #tpu.memory_space<hbm>>, %arg4: memref<80x128xi32, #tpu.memory_space<vmem>>, %arg5: memref<10240xf32, #tpu.memory_space<vmem>>) attributes {dimension_semantics = [#tpu.dimension_semantics<core_parallel>, #tpu.dimension_semantics<subcore_parallel>], iteration_bounds = array<i64: 2, 16>, scalar_prefetch = 0 : i64, scratch_operands = 2 : i64, tpu.core_type = #tpu.core_type<sc_vector_subcore>, window_params = [{transform_indices = #map}, {transform_indices = #map1}]} {
    %mul3A = arith.constant 16 : i32
    %mul3A_0 = arith.muli %arg0, %mul3A : i32
    %add3A = arith.addi %mul3A_0, %arg1 : i32
    %broadcast_in_dim3A = arith.constant 0.000000e+00 : f32
    %broadcast_in_dim3A_1 = vector.broadcast %broadcast_in_dim3A : f32 to vector<16xf32>
    %scan3A = arith.constant 0 : i32
    %scan3A_2 = arith.constant 0 : i32
    %scan3A_3 = arith.constant 640 : i32
    %scan3A_4 = arith.addi %scan3A_2, %scan3A_3 : i32
    %scan3A_5 = arith.constant 1 : i32
    scf.for %scan3A_15 = %scan3A_2 to %scan3A_4 step %scan3A_5  : i32 {
      %mul3A_16 = arith.constant 16 : i32
      %mul3A_17 = arith.muli %scan3A_15, %mul3A_16 : i32
      %swap3A = arith.index_cast %mul3A_17 : i32 to index
      %swap3A_18 = tpu.vector_load %arg5[%swap3A] {strides = array<i32>} : memref<10240xf32, #tpu.memory_space<vmem>>, vector<16xf32>,
      tpu.vector_store %arg5[%swap3A], %broadcast_in_dim3A_1 {strides = array<i32>} : memref<10240xf32, #tpu.memory_space<vmem>>, vector<16xf32>,
    }
    %scan3A_6 = arith.constant 640 : i32
    "tpu.region"() ({
      %run_scoped3A = tpu.sem_alloc : memref<!tpu.dma_semaphore, #tpu.memory_space<semaphore_mem>>
      %dma_start3A = arith.constant 0 : i32
      %dma_start3A_15 = arith.constant 0 : i32
      %dma_start3A_16 = tpu.memref_slice %arg2[%add3A, %dma_start3A, %dma_start3A_15] : memref<32x80x128xi32, #tpu.memory_space<hbm>> -> memref<1x80x128xi32, #tpu.memory_space<hbm>>
      %dma_start3A_17 = tpu.memref_squeeze %dma_start3A_16 : memref<1x80x128xi32, #tpu.memory_space<hbm>> -> memref<80x128xi32, #tpu.memory_space<hbm>>
      %dma_start3A_18 = arith.constant 0 : i32
      %dma_start3A_19 = arith.constant 0 : i32
      %dma_start3A_20 = tpu.memref_slice %arg2[%add3A, %dma_start3A_18, %dma_start3A_19] : memref<32x80x128xi32, #tpu.memory_space<hbm>> -> memref<1x80x128xi32, #tpu.memory_space<hbm>>
      %dma_start3A_21 = tpu.memref_squeeze %dma_start3A_20 : memref<1x80x128xi32, #tpu.memory_space<hbm>> -> memref<80x128xi32, #tpu.memory_space<hbm>>
      tpu.enqueue_dma source(%dma_start3A_21 : memref<80x128xi32, #tpu.memory_space<hbm>>) target(%arg4 : memref<80x128xi32, #tpu.memory_space<vmem>>) target_semaphore(%run_scoped3A : memref<!tpu.dma_semaphore, #tpu.memory_space<semaphore_mem>>)
      %dma_wait3A = arith.constant 0 : i32
      %dma_wait3A_22 = arith.constant 0 : i32
      %dma_wait3A_23 = tpu.memref_slice %arg2[%add3A, %dma_wait3A, %dma_wait3A_22] : memref<32x80x128xi32, #tpu.memory_space<hbm>> -> memref<1x80x128xi32, #tpu.memory_space<hbm>>
      %dma_wait3A_24 = tpu.memref_squeeze %dma_wait3A_23 : memref<1x80x128xi32, #tpu.memory_space<hbm>> -> memref<80x128xi32, #tpu.memory_space<hbm>>
      %dma_wait3A_25 = arith.constant 0 : i32
      %dma_wait3A_26 = arith.constant 0 : i32
      %dma_wait3A_27 = tpu.memref_slice %arg2[%add3A, %dma_wait3A_25, %dma_wait3A_26] : memref<32x80x128xi32, #tpu.memory_space<hbm>> -> memref<1x80x128xi32, #tpu.memory_space<hbm>>
      %dma_wait3A_28 = tpu.memref_squeeze %dma_wait3A_27 : memref<1x80x128xi32, #tpu.memory_space<hbm>> -> memref<80x128xi32, #tpu.memory_space<hbm>>
      tpu.wait_dma2 semaphore(%run_scoped3A : memref<!tpu.dma_semaphore, #tpu.memory_space<semaphore_mem>>) src(%dma_wait3A_28 : memref<80x128xi32, #tpu.memory_space<hbm>>) dst(%arg4 : memref<80x128xi32, #tpu.memory_space<vmem>>)
      tpu.yield
    }) : () -> ()
    %broadcast_in_dim3A_7 = arith.constant 1.000000e+00 : f32
    %broadcast_in_dim3A_8 = vector.broadcast %broadcast_in_dim3A_7 : f32 to vector<16xf32>
    %scan3A_9 = arith.constant 0 : i32
    %scan3A_10 = arith.constant 0 : i32
    %scan3A_11 = arith.constant 640 : i32
    %scan3A_12 = arith.addi %scan3A_10, %scan3A_11 : i32
    %scan3A_13 = arith.constant 1 : i32
    scf.for %scan3A_15 = %scan3A_10 to %scan3A_12 step %scan3A_13  : i32 {
      %jit3A = arith.constant 8 : i32
      %div3A = arith.divsi %scan3A_15, %jit3A : i32
      %sign3A = arith.constant 0 : i32
      %sign3A_16 = arith.cmpi sgt, %scan3A_15, %sign3A : i32
      %sign3A_17 = arith.extui %sign3A_16 : i1 to i32
      %sign3A_18 = arith.constant 0 : i32
      %sign3A_19 = arith.cmpi slt, %scan3A_15, %sign3A_18 : i32
      %sign3A_20 = arith.extui %sign3A_19 : i1 to i32
      %sign3A_21 = arith.subi %sign3A_17, %sign3A_20 : i32
      %sign3A_22 = arith.constant 0 : i32
      %sign3A_23 = arith.cmpi sgt, %jit3A, %sign3A_22 : i32
      %sign3A_24 = arith.extui %sign3A_23 : i1 to i32
      %sign3A_25 = arith.constant 0 : i32
      %sign3A_26 = arith.cmpi slt, %jit3A, %sign3A_25 : i32
      %sign3A_27 = arith.extui %sign3A_26 : i1 to i32
      %sign3A_28 = arith.subi %sign3A_24, %sign3A_27 : i32
      %ne3A = arith.cmpi ne, %sign3A_21, %sign3A_28 : i32
      %rem3A = arith.remsi %scan3A_15, %jit3A : i32
      %ne3A_29 = arith.constant 0 : i32
      %ne3A_30 = arith.cmpi ne, %rem3A, %ne3A_29 : i32
      %and3A = arith.andi %ne3A, %ne3A_30 : i1
      %sub3A = arith.constant 1 : i32
      %sub3A_31 = arith.subi %div3A, %sub3A : i32
      %select_n3A = arith.select %and3A, %sub3A_31, %div3A : i32
      %jit3A_32 = arith.constant 8 : i32
      %eq3A = arith.constant 0 : i32
      %eq3A_33 = arith.cmpi eq, %jit3A_32, %eq3A : i32
      %jit3A_34 = arith.constant 1 : i32
      %select_n3A_35 = arith.select %eq3A_33, %jit3A_34, %jit3A_32 : i32
      %rem3A_36 = arith.remsi %scan3A_15, %select_n3A_35 : i32
      %ne3A_37 = arith.constant 0 : i32
      %ne3A_38 = arith.cmpi ne, %rem3A_36, %ne3A_37 : i32
      %lt3A = arith.constant 0 : i32
      %lt3A_39 = arith.cmpi slt, %rem3A_36, %lt3A : i32
      %lt3A_40 = arith.constant 0 : i32
      %lt3A_41 = arith.cmpi slt, %select_n3A_35, %lt3A_40 : i32
      %ne3A_42 = arith.xori %lt3A_39, %lt3A_41 : i1
      %and3A_43 = arith.andi %ne3A_42, %ne3A_38 : i1
      %add3A_44 = arith.addi %rem3A_36, %select_n3A_35 : i32
      %select_n3A_45 = arith.select %and3A_43, %add3A_44, %rem3A_36 : i32
      %mul3A_46 = arith.constant 16 : i32
      %mul3A_47 = arith.muli %select_n3A_45, %mul3A_46 : i32
      %get3A = arith.index_cast %select_n3A : i32 to index
      %get3A_48 = arith.index_cast %mul3A_47 : i32 to index
      %get3A_49 = tpu.vector_load %arg4[%get3A, %get3A_48] {strides = array<i32>} : memref<80x128xi32, #tpu.memory_space<vmem>>, vector<16xi32>,
      tpu.vector_store_idx %arg5[%get3A_49], %broadcast_in_dim3A_8 {add = true} : memref<10240xf32, #tpu.memory_space<vmem>>[vector<16xi32>], vector<16xf32>,
    }
    %scan3A_14 = arith.constant 640 : i32
    "tpu.region"() ({
      %run_scoped3A = tpu.sem_alloc : memref<!tpu.dma_semaphore, #tpu.memory_space<semaphore_mem>>
      %dma_start3A = arith.constant 0 : i32
      %dma_start3A_15 = tpu.memref_slice %arg3[%add3A, %dma_start3A] : memref<32x10240xf32, #tpu.memory_space<hbm>> -> memref<1x10240xf32, #tpu.memory_space<hbm>>
      %dma_start3A_16 = tpu.memref_squeeze %dma_start3A_15 : memref<1x10240xf32, #tpu.memory_space<hbm>> -> memref<10240xf32, #tpu.memory_space<hbm>>
      %dma_start3A_17 = arith.constant 0 : i32
      %dma_start3A_18 = tpu.memref_slice %arg3[%add3A, %dma_start3A_17] : memref<32x10240xf32, #tpu.memory_space<hbm>> -> memref<1x10240xf32, #tpu.memory_space<hbm>>
      %dma_start3A_19 = tpu.memref_squeeze %dma_start3A_18 : memref<1x10240xf32, #tpu.memory_space<hbm>> -> memref<10240xf32, #tpu.memory_space<hbm>>
      tpu.enqueue_dma source(%arg5 : memref<10240xf32, #tpu.memory_space<vmem>>) target(%dma_start3A_19 : memref<10240xf32, #tpu.memory_space<hbm>>) target_semaphore(%run_scoped3A : memref<!tpu.dma_semaphore, #tpu.memory_space<semaphore_mem>>)
      %dma_wait3A = arith.constant 0 : i32
      %dma_wait3A_20 = tpu.memref_slice %arg3[%add3A, %dma_wait3A] : memref<32x10240xf32, #tpu.memory_space<hbm>> -> memref<1x10240xf32, #tpu.memory_space<hbm>>
      %dma_wait3A_21 = tpu.memref_squeeze %dma_wait3A_20 : memref<1x10240xf32, #tpu.memory_space<hbm>> -> memref<10240xf32, #tpu.memory_space<hbm>>
      %dma_wait3A_22 = arith.constant 0 : i32
      %dma_wait3A_23 = tpu.memref_slice %arg3[%add3A, %dma_wait3A_22] : memref<32x10240xf32, #tpu.memory_space<hbm>> -> memref<1x10240xf32, #tpu.memory_space<hbm>>
      %dma_wait3A_24 = tpu.memref_squeeze %dma_wait3A_23 : memref<1x10240xf32, #tpu.memory_space<hbm>> -> memref<10240xf32, #tpu.memory_space<hbm>>
      tpu.wait_dma2 semaphore(%run_scoped3A : memref<!tpu.dma_semaphore, #tpu.memory_space<semaphore_mem>>) src(%arg5 : memref<10240xf32, #tpu.memory_space<vmem>>) dst(%dma_wait3A_24 : memref<10240xf32, #tpu.memory_space<hbm>>)
      tpu.yield
    }) : () -> ()
    return
  }
}

#map = affine_map<(d0, d1) -> (0, 0)>
#map1 = affine_map<(d0, d1) -> (0, 0, 0)>
module attributes {stable_mosaic.version = 14 : i64} {
  func.func @k(%arg0: i32, %arg1: i32, %arg2: memref<10240x128xf32, #tpu.memory_space<hbm>>, %arg3: memref<32x80x128xi32, #tpu.memory_space<hbm>>, %arg4: memref<32x80x128xi32, #tpu.memory_space<hbm>>, %arg5: memref<2x10240x128xf32, #tpu.memory_space<hbm>>, %arg6: memref<2x16x128xi32, #tpu.memory_space<vmem>>, %arg7: memref<2x16x128xi32, #tpu.memory_space<vmem>>, %arg8: memref<2x128x128xf32, #tpu.memory_space<vmem>>, %arg9: memref<10240x128xf32, #tpu.memory_space<vmem_shared>>, %arg10: memref<!tpu.dma_semaphore, #tpu.memory_space<semaphore_mem>>) attributes {dimension_semantics = [#tpu.dimension_semantics<core_parallel>, #tpu.dimension_semantics<subcore_parallel>], iteration_bounds = array<i64: 2, 16>, scalar_prefetch = 0 : i64, scratch_operands = 5 : i64, tpu.core_type = #tpu.core_type<sc_vector_subcore>, window_params = [{transform_indices = #map}, {transform_indices = #map1}, {transform_indices = #map1}, {transform_indices = #map1}]} {
    %mul3A = arith.constant 16 : i32
    %mul3A_0 = arith.muli %arg0, %mul3A : i32
    %add3A = arith.addi %mul3A_0, %arg1 : i32
    %broadcast_in_dim3A = arith.constant 0.000000e+00 : f32
    %broadcast_in_dim3A_1 = vector.broadcast %broadcast_in_dim3A : f32 to vector<16xf32>
    %scan3A = arith.constant 0 : i32
    %scan3A_2 = arith.constant 0 : i32
    %scan3A_3 = arith.constant 1024 : i32
    %scan3A_4 = arith.addi %scan3A_2, %scan3A_3 : i32
    %scan3A_5 = arith.constant 1 : i32
    scf.for %scan3A_50 = %scan3A_2 to %scan3A_4 step %scan3A_5  : i32 {
      %jit3A = arith.constant 8 : i32
      %div3A = arith.divsi %scan3A_50, %jit3A : i32
      %sign3A = arith.constant 0 : i32
      %sign3A_51 = arith.cmpi sgt, %scan3A_50, %sign3A : i32
      %sign3A_52 = arith.extui %sign3A_51 : i1 to i32
      %sign3A_53 = arith.constant 0 : i32
      %sign3A_54 = arith.cmpi slt, %scan3A_50, %sign3A_53 : i32
      %sign3A_55 = arith.extui %sign3A_54 : i1 to i32
      %sign3A_56 = arith.subi %sign3A_52, %sign3A_55 : i32
      %sign3A_57 = arith.constant 0 : i32
      %sign3A_58 = arith.cmpi sgt, %jit3A, %sign3A_57 : i32
      %sign3A_59 = arith.extui %sign3A_58 : i1 to i32
      %sign3A_60 = arith.constant 0 : i32
      %sign3A_61 = arith.cmpi slt, %jit3A, %sign3A_60 : i32
      %sign3A_62 = arith.extui %sign3A_61 : i1 to i32
      %sign3A_63 = arith.subi %sign3A_59, %sign3A_62 : i32
      %ne3A = arith.cmpi ne, %sign3A_56, %sign3A_63 : i32
      %rem3A = arith.remsi %scan3A_50, %jit3A : i32
      %ne3A_64 = arith.constant 0 : i32
      %ne3A_65 = arith.cmpi ne, %rem3A, %ne3A_64 : i32
      %and3A = arith.andi %ne3A, %ne3A_65 : i1
      %sub3A = arith.constant 1 : i32
      %sub3A_66 = arith.subi %div3A, %sub3A : i32
      %select_n3A = arith.select %and3A, %sub3A_66, %div3A : i32
      %jit3A_67 = arith.constant 8 : i32
      %eq3A = arith.constant 0 : i32
      %eq3A_68 = arith.cmpi eq, %jit3A_67, %eq3A : i32
      %jit3A_69 = arith.constant 1 : i32
      %select_n3A_70 = arith.select %eq3A_68, %jit3A_69, %jit3A_67 : i32
      %rem3A_71 = arith.remsi %scan3A_50, %select_n3A_70 : i32
      %ne3A_72 = arith.constant 0 : i32
      %ne3A_73 = arith.cmpi ne, %rem3A_71, %ne3A_72 : i32
      %lt3A = arith.constant 0 : i32
      %lt3A_74 = arith.cmpi slt, %rem3A_71, %lt3A : i32
      %lt3A_75 = arith.constant 0 : i32
      %lt3A_76 = arith.cmpi slt, %select_n3A_70, %lt3A_75 : i32
      %ne3A_77 = arith.xori %lt3A_74, %lt3A_76 : i1
      %and3A_78 = arith.andi %ne3A_77, %ne3A_73 : i1
      %add3A_79 = arith.addi %rem3A_71, %select_n3A_70 : i32
      %select_n3A_80 = arith.select %and3A_78, %add3A_79, %rem3A_71 : i32
      %mul3A_81 = arith.constant 16 : i32
      %mul3A_82 = arith.muli %select_n3A_80, %mul3A_81 : i32
      %swap3A = arith.constant 0 : i32
      %swap3A_83 = arith.index_cast %swap3A : i32 to index
      %swap3A_84 = arith.index_cast %select_n3A : i32 to index
      %swap3A_85 = arith.index_cast %mul3A_82 : i32 to index
      %swap3A_86 = tpu.vector_load %arg8[%swap3A_83, %swap3A_84, %swap3A_85] {strides = array<i32>} : memref<2x128x128xf32, #tpu.memory_space<vmem>>, vector<16xf32>,
      tpu.vector_store %arg8[%swap3A_83, %swap3A_84, %swap3A_85], %broadcast_in_dim3A_1 {strides = array<i32>} : memref<2x128x128xf32, #tpu.memory_space<vmem>>, vector<16xf32>,
    }
    %scan3A_6 = arith.constant 1024 : i32
    %scan3A_7 = arith.constant 0 : i32
    %scan3A_8 = arith.constant 0 : i32
    %scan3A_9 = arith.constant 5 : i32
    %scan3A_10 = arith.addi %scan3A_8, %scan3A_9 : i32
    %scan3A_11 = arith.constant 1 : i32
    scf.for %scan3A_50 = %scan3A_8 to %scan3A_10 step %scan3A_11  : i32 {
      %mul3A_51 = arith.constant 640 : i32
      %mul3A_52 = arith.muli %arg1, %mul3A_51 : i32
      %mul3A_53 = arith.constant 128 : i32
      %mul3A_54 = arith.muli %scan3A_50, %mul3A_53 : i32
      %add3A_55 = arith.addi %mul3A_52, %mul3A_54 : i32
      %run_scoped3A_56 = arith.constant 0 : i32
      "tpu.region"() ({
        %run_scoped3A_57 = tpu.sem_alloc : memref<!tpu.dma_semaphore, #tpu.memory_space<semaphore_mem>>
        %dma_start3A_58 = arith.constant 0 : i32
        %dma_start3A_59 = arith.constant 0 : i32
        %dma_start3A_60 = tpu.memref_slice %arg8[%run_scoped3A_56, %dma_start3A_58, %dma_start3A_59] : memref<2x128x128xf32, #tpu.memory_space<vmem>> -> memref<1x128x128xf32, #tpu.memory_space<vmem>>
        %dma_start3A_61 = tpu.memref_squeeze %dma_start3A_60 : memref<1x128x128xf32, #tpu.memory_space<vmem>> -> memref<128x128xf32, #tpu.memory_space<vmem>>
        %dma_start3A_62 = arith.constant 0 : i32
        %dma_start3A_63 = tpu.memref_slice %arg9[%add3A_55, %dma_start3A_62] : memref<10240x128xf32, #tpu.memory_space<vmem_shared>> -> memref<128x128xf32, #tpu.memory_space<vmem_shared>>
        %dma_start3A_64 = arith.constant 0 : i32
        %dma_start3A_65 = tpu.memref_slice %arg9[%add3A_55, %dma_start3A_64] : memref<10240x128xf32, #tpu.memory_space<vmem_shared>> -> memref<128x128xf32, #tpu.memory_space<vmem_shared>>
        %dma_start3A_66 = arith.constant 0 : i32
        %dma_start3A_67 = arith.constant 0 : i32
        %dma_start3A_68 = tpu.memref_slice %arg8[%run_scoped3A_56, %dma_start3A_66, %dma_start3A_67] : memref<2x128x128xf32, #tpu.memory_space<vmem>> -> memref<1x128x128xf32, #tpu.memory_space<vmem>>
        %dma_start3A_69 = tpu.memref_squeeze %dma_start3A_68 : memref<1x128x128xf32, #tpu.memory_space<vmem>> -> memref<128x128xf32, #tpu.memory_space<vmem>>
        tpu.enqueue_dma source(%dma_start3A_69 : memref<128x128xf32, #tpu.memory_space<vmem>>) target(%dma_start3A_65 : memref<128x128xf32, #tpu.memory_space<vmem_shared>>) target_semaphore(%run_scoped3A_57 : memref<!tpu.dma_semaphore, #tpu.memory_space<semaphore_mem>>)
        %dma_wait3A = arith.constant 0 : i32
        %dma_wait3A_70 = arith.constant 0 : i32
        %dma_wait3A_71 = tpu.memref_slice %arg8[%run_scoped3A_56, %dma_wait3A, %dma_wait3A_70] : memref<2x128x128xf32, #tpu.memory_space<vmem>> -> memref<1x128x128xf32, #tpu.memory_space<vmem>>
        %dma_wait3A_72 = tpu.memref_squeeze %dma_wait3A_71 : memref<1x128x128xf32, #tpu.memory_space<vmem>> -> memref<128x128xf32, #tpu.memory_space<vmem>>
        %dma_wait3A_73 = arith.constant 0 : i32
        %dma_wait3A_74 = tpu.memref_slice %arg9[%add3A_55, %dma_wait3A_73] : memref<10240x128xf32, #tpu.memory_space<vmem_shared>> -> memref<128x128xf32, #tpu.memory_space<vmem_shared>>
        %dma_wait3A_75 = arith.constant 0 : i32
        %dma_wait3A_76 = tpu.memref_slice %arg9[%add3A_55, %dma_wait3A_75] : memref<10240x128xf32, #tpu.memory_space<vmem_shared>> -> memref<128x128xf32, #tpu.memory_space<vmem_shared>>
        %dma_wait3A_77 = arith.constant 0 : i32
        %dma_wait3A_78 = arith.constant 0 : i32
        %dma_wait3A_79 = tpu.memref_slice %arg8[%run_scoped3A_56, %dma_wait3A_77, %dma_wait3A_78] : memref<2x128x128xf32, #tpu.memory_space<vmem>> -> memref<1x128x128xf32, #tpu.memory_space<vmem>>
        %dma_wait3A_80 = tpu.memref_squeeze %dma_wait3A_79 : memref<1x128x128xf32, #tpu.memory_space<vmem>> -> memref<128x128xf32, #tpu.memory_space<vmem>>
        tpu.wait_dma2 semaphore(%run_scoped3A_57 : memref<!tpu.dma_semaphore, #tpu.memory_space<semaphore_mem>>) src(%dma_wait3A_80 : memref<128x128xf32, #tpu.memory_space<vmem>>) dst(%dma_wait3A_76 : memref<128x128xf32, #tpu.memory_space<vmem_shared>>)
        tpu.yield
      }) : () -> ()
    }
    %scan3A_12 = arith.constant 5 : i32
    %run_scoped3A = arith.constant 0 : i32
    "tpu.region"() ({
      %run_scoped3A_50 = tpu.sem_alloc : memref<!tpu.dma_semaphore, #tpu.memory_space<semaphore_mem>>
      %dma_start3A_51 = arith.constant 0 : i32
      %dma_start3A_52 = arith.constant 0 : i32
      %dma_start3A_53 = tpu.memref_slice %arg6[%run_scoped3A, %dma_start3A_51, %dma_start3A_52] : memref<2x16x128xi32, #tpu.memory_space<vmem>> -> memref<1x16x128xi32, #tpu.memory_space<vmem>>
      %dma_start3A_54 = tpu.memref_squeeze %dma_start3A_53 : memref<1x16x128xi32, #tpu.memory_space<vmem>> -> memref<16x128xi32, #tpu.memory_space<vmem>>
      %dma_start3A_55 = arith.constant 0 : i32
      %dma_start3A_56 = arith.constant 0 : i32
      %dma_start3A_57 = tpu.memref_slice %arg3[%add3A, %dma_start3A_55, %dma_start3A_56] : memref<32x80x128xi32, #tpu.memory_space<hbm>> -> memref<1x16x128xi32, #tpu.memory_space<hbm>>
      %dma_start3A_58 = tpu.memref_squeeze %dma_start3A_57 : memref<1x16x128xi32, #tpu.memory_space<hbm>> -> memref<16x128xi32, #tpu.memory_space<hbm>>
      %dma_start3A_59 = arith.constant 0 : i32
      %dma_start3A_60 = arith.constant 0 : i32
      %dma_start3A_61 = tpu.memref_slice %arg6[%run_scoped3A, %dma_start3A_59, %dma_start3A_60] : memref<2x16x128xi32, #tpu.memory_space<vmem>> -> memref<1x16x128xi32, #tpu.memory_space<vmem>>
      %dma_start3A_62 = tpu.memref_squeeze %dma_start3A_61 : memref<1x16x128xi32, #tpu.memory_space<vmem>> -> memref<16x128xi32, #tpu.memory_space<vmem>>
      %dma_start3A_63 = arith.constant 0 : i32
      %dma_start3A_64 = arith.constant 0 : i32
      %dma_start3A_65 = tpu.memref_slice %arg3[%add3A, %dma_start3A_63, %dma_start3A_64] : memref<32x80x128xi32, #tpu.memory_space<hbm>> -> memref<1x16x128xi32, #tpu.memory_space<hbm>>
      %dma_start3A_66 = tpu.memref_squeeze %dma_start3A_65 : memref<1x16x128xi32, #tpu.memory_space<hbm>> -> memref<16x128xi32, #tpu.memory_space<hbm>>
      tpu.enqueue_dma source(%dma_start3A_66 : memref<16x128xi32, #tpu.memory_space<hbm>>) target(%dma_start3A_62 : memref<16x128xi32, #tpu.memory_space<vmem>>) target_semaphore(%run_scoped3A_50 : memref<!tpu.dma_semaphore, #tpu.memory_space<semaphore_mem>>)
      %dma_wait3A = arith.constant 0 : i32
      %dma_wait3A_67 = arith.constant 0 : i32
      %dma_wait3A_68 = tpu.memref_slice %arg6[%run_scoped3A, %dma_wait3A, %dma_wait3A_67] : memref<2x16x128xi32, #tpu.memory_space<vmem>> -> memref<1x16x128xi32, #tpu.memory_space<vmem>>
      %dma_wait3A_69 = tpu.memref_squeeze %dma_wait3A_68 : memref<1x16x128xi32, #tpu.memory_space<vmem>> -> memref<16x128xi32, #tpu.memory_space<vmem>>
      %dma_wait3A_70 = arith.constant 0 : i32
      %dma_wait3A_71 = arith.constant 0 : i32
      %dma_wait3A_72 = tpu.memref_slice %arg3[%add3A, %dma_wait3A_70, %dma_wait3A_71] : memref<32x80x128xi32, #tpu.memory_space<hbm>> -> memref<1x16x128xi32, #tpu.memory_space<hbm>>
      %dma_wait3A_73 = tpu.memref_squeeze %dma_wait3A_72 : memref<1x16x128xi32, #tpu.memory_space<hbm>> -> memref<16x128xi32, #tpu.memory_space<hbm>>
      %dma_wait3A_74 = arith.constant 0 : i32
      %dma_wait3A_75 = arith.constant 0 : i32
      %dma_wait3A_76 = tpu.memref_slice %arg6[%run_scoped3A, %dma_wait3A_74, %dma_wait3A_75] : memref<2x16x128xi32, #tpu.memory_space<vmem>> -> memref<1x16x128xi32, #tpu.memory_space<vmem>>
      %dma_wait3A_77 = tpu.memref_squeeze %dma_wait3A_76 : memref<1x16x128xi32, #tpu.memory_space<vmem>> -> memref<16x128xi32, #tpu.memory_space<vmem>>
      %dma_wait3A_78 = arith.constant 0 : i32
      %dma_wait3A_79 = arith.constant 0 : i32
      %dma_wait3A_80 = tpu.memref_slice %arg3[%add3A, %dma_wait3A_78, %dma_wait3A_79] : memref<32x80x128xi32, #tpu.memory_space<hbm>> -> memref<1x16x128xi32, #tpu.memory_space<hbm>>
      %dma_wait3A_81 = tpu.memref_squeeze %dma_wait3A_80 : memref<1x16x128xi32, #tpu.memory_space<hbm>> -> memref<16x128xi32, #tpu.memory_space<hbm>>
      tpu.wait_dma2 semaphore(%run_scoped3A_50 : memref<!tpu.dma_semaphore, #tpu.memory_space<semaphore_mem>>) src(%dma_wait3A_81 : memref<16x128xi32, #tpu.memory_space<hbm>>) dst(%dma_wait3A_77 : memref<16x128xi32, #tpu.memory_space<vmem>>)
      tpu.yield
    }) : () -> ()
    %run_scoped3A_13 = arith.constant 0 : i32
    "tpu.region"() ({
      %run_scoped3A_50 = tpu.sem_alloc : memref<!tpu.dma_semaphore, #tpu.memory_space<semaphore_mem>>
      %dma_start3A_51 = arith.constant 0 : i32
      %dma_start3A_52 = arith.constant 0 : i32
      %dma_start3A_53 = tpu.memref_slice %arg7[%run_scoped3A_13, %dma_start3A_51, %dma_start3A_52] : memref<2x16x128xi32, #tpu.memory_space<vmem>> -> memref<1x16x128xi32, #tpu.memory_space<vmem>>
      %dma_start3A_54 = tpu.memref_squeeze %dma_start3A_53 : memref<1x16x128xi32, #tpu.memory_space<vmem>> -> memref<16x128xi32, #tpu.memory_space<vmem>>
      %dma_start3A_55 = arith.constant 0 : i32
      %dma_start3A_56 = arith.constant 0 : i32
      %dma_start3A_57 = tpu.memref_slice %arg4[%add3A, %dma_start3A_55, %dma_start3A_56] : memref<32x80x128xi32, #tpu.memory_space<hbm>> -> memref<1x16x128xi32, #tpu.memory_space<hbm>>
      %dma_start3A_58 = tpu.memref_squeeze %dma_start3A_57 : memref<1x16x128xi32, #tpu.memory_space<hbm>> -> memref<16x128xi32, #tpu.memory_space<hbm>>
      %dma_start3A_59 = arith.constant 0 : i32
      %dma_start3A_60 = arith.constant 0 : i32
      %dma_start3A_61 = tpu.memref_slice %arg7[%run_scoped3A_13, %dma_start3A_59, %dma_start3A_60] : memref<2x16x128xi32, #tpu.memory_space<vmem>> -> memref<1x16x128xi32, #tpu.memory_space<vmem>>
      %dma_start3A_62 = tpu.memref_squeeze %dma_start3A_61 : memref<1x16x128xi32, #tpu.memory_space<vmem>> -> memref<16x128xi32, #tpu.memory_space<vmem>>
      %dma_start3A_63 = arith.constant 0 : i32
      %dma_start3A_64 = arith.constant 0 : i32
      %dma_start3A_65 = tpu.memref_slice %arg4[%add3A, %dma_start3A_63, %dma_start3A_64] : memref<32x80x128xi32, #tpu.memory_space<hbm>> -> memref<1x16x128xi32, #tpu.memory_space<hbm>>
      %dma_start3A_66 = tpu.memref_squeeze %dma_start3A_65 : memref<1x16x128xi32, #tpu.memory_space<hbm>> -> memref<16x128xi32, #tpu.memory_space<hbm>>
      tpu.enqueue_dma source(%dma_start3A_66 : memref<16x128xi32, #tpu.memory_space<hbm>>) target(%dma_start3A_62 : memref<16x128xi32, #tpu.memory_space<vmem>>) target_semaphore(%run_scoped3A_50 : memref<!tpu.dma_semaphore, #tpu.memory_space<semaphore_mem>>)
      %dma_wait3A = arith.constant 0 : i32
      %dma_wait3A_67 = arith.constant 0 : i32
      %dma_wait3A_68 = tpu.memref_slice %arg7[%run_scoped3A_13, %dma_wait3A, %dma_wait3A_67] : memref<2x16x128xi32, #tpu.memory_space<vmem>> -> memref<1x16x128xi32, #tpu.memory_space<vmem>>
      %dma_wait3A_69 = tpu.memref_squeeze %dma_wait3A_68 : memref<1x16x128xi32, #tpu.memory_space<vmem>> -> memref<16x128xi32, #tpu.memory_space<vmem>>
      %dma_wait3A_70 = arith.constant 0 : i32
      %dma_wait3A_71 = arith.constant 0 : i32
      %dma_wait3A_72 = tpu.memref_slice %arg4[%add3A, %dma_wait3A_70, %dma_wait3A_71] : memref<32x80x128xi32, #tpu.memory_space<hbm>> -> memref<1x16x128xi32, #tpu.memory_space<hbm>>
      %dma_wait3A_73 = tpu.memref_squeeze %dma_wait3A_72 : memref<1x16x128xi32, #tpu.memory_space<hbm>> -> memref<16x128xi32, #tpu.memory_space<hbm>>
      %dma_wait3A_74 = arith.constant 0 : i32
      %dma_wait3A_75 = arith.constant 0 : i32
      %dma_wait3A_76 = tpu.memref_slice %arg7[%run_scoped3A_13, %dma_wait3A_74, %dma_wait3A_75] : memref<2x16x128xi32, #tpu.memory_space<vmem>> -> memref<1x16x128xi32, #tpu.memory_space<vmem>>
      %dma_wait3A_77 = tpu.memref_squeeze %dma_wait3A_76 : memref<1x16x128xi32, #tpu.memory_space<vmem>> -> memref<16x128xi32, #tpu.memory_space<vmem>>
      %dma_wait3A_78 = arith.constant 0 : i32
      %dma_wait3A_79 = arith.constant 0 : i32
      %dma_wait3A_80 = tpu.memref_slice %arg4[%add3A, %dma_wait3A_78, %dma_wait3A_79] : memref<32x80x128xi32, #tpu.memory_space<hbm>> -> memref<1x16x128xi32, #tpu.memory_space<hbm>>
      %dma_wait3A_81 = tpu.memref_squeeze %dma_wait3A_80 : memref<1x16x128xi32, #tpu.memory_space<hbm>> -> memref<16x128xi32, #tpu.memory_space<hbm>>
      tpu.wait_dma2 semaphore(%run_scoped3A_50 : memref<!tpu.dma_semaphore, #tpu.memory_space<semaphore_mem>>) src(%dma_wait3A_81 : memref<16x128xi32, #tpu.memory_space<hbm>>) dst(%dma_wait3A_77 : memref<16x128xi32, #tpu.memory_space<vmem>>)
      tpu.yield
    }) : () -> ()
    %barrier3A = arith.constant 0 : index
    tpu.barrier barrier_id(%barrier3A)
    %dma_start3A = arith.constant 0 : i32
    %dma_start3A_14 = arith.constant 0 : i32
    %dma_start3A_15 = arith.constant 0 : i32
    %dma_start3A_16 = arith.constant 0 : i32
    %dma_start3A_17 = arith.constant 0 : i32
    %dma_start3A_18 = tpu.memref_slice %arg8[%dma_start3A_15, %dma_start3A_16, %dma_start3A_17] : memref<2x128x128xf32, #tpu.memory_space<vmem>> -> memref<1x128x128xf32, #tpu.memory_space<vmem>>
    %dma_start3A_19 = tpu.memref_squeeze %dma_start3A_18 : memref<1x128x128xf32, #tpu.memory_space<vmem>> -> memref<128x128xf32, #tpu.memory_space<vmem>>
    %dma_start3A_20 = arith.constant 0 : i32
    %dma_start3A_21 = tpu.memref_slice %arg6[%dma_start3A, %dma_start3A_14, %dma_start3A_20] : memref<2x16x128xi32, #tpu.memory_space<vmem>> -> memref<1x1x128xi32, #tpu.memory_space<vmem>>
    %dma_start3A_22 = tpu.memref_squeeze %dma_start3A_21 : memref<1x1x128xi32, #tpu.memory_space<vmem>> -> memref<128xi32, #tpu.memory_space<vmem>>
    %dma_start3A_23 = arith.constant 0 : i32
    %dma_start3A_24 = arith.constant 0 : i32
    %dma_start3A_25 = tpu.memref_slice %arg2[%dma_start3A_23, %dma_start3A_24] : memref<10240x128xf32, #tpu.memory_space<hbm>> -> memref<10240x128xf32, #tpu.memory_space<hbm>>
    tpu.enqueue_indirect_dma source(%dma_start3A_25 : memref<10240x128xf32, #tpu.memory_space<hbm>>) target(%dma_start3A_19 : memref<128x128xf32, #tpu.memory_space<vmem>>) offsets(%dma_start3A_22 : memref<128xi32, #tpu.memory_space<vmem>>) semaphore(%arg10 : memref<!tpu.dma_semaphore, #tpu.memory_space<semaphore_mem>>)
    %dma_start3A_26 = arith.constant 0 : i32
    %dma_start3A_27 = arith.constant 1 : i32
    %dma_start3A_28 = arith.constant 1 : i32
    %dma_start3A_29 = arith.constant 0 : i32
    %dma_start3A_30 = arith.constant 0 : i32
    %dma_start3A_31 = tpu.memref_slice %arg8[%dma_start3A_28, %dma_start3A_29, %dma_start3A_30] : memref<2x128x128xf32, #tpu.memory_space<vmem>> -> memref<1x128x128xf32, #tpu.memory_space<vmem>>
    %dma_start3A_32 = tpu.memref_squeeze %dma_start3A_31 : memref<1x128x128xf32, #tpu.memory_space<vmem>> -> memref<128x128xf32, #tpu.memory_space<vmem>>
    %dma_start3A_33 = arith.constant 0 : i32
    %dma_start3A_34 = tpu.memref_slice %arg6[%dma_start3A_26, %dma_start3A_27, %dma_start3A_33] : memref<2x16x128xi32, #tpu.memory_space<vmem>> -> memref<1x1x128xi32, #tpu.memory_space<vmem>>
    %dma_start3A_35 = tpu.memref_squeeze %dma_start3A_34 : memref<1x1x128xi32, #tpu.memory_space<vmem>> -> memref<128xi32, #tpu.memory_space<vmem>>
    %dma_start3A_36 = arith.constant 0 : i32
    %dma_start3A_37 = arith.constant 0 : i32
    %dma_start3A_38 = tpu.memref_slice %arg2[%dma_start3A_36, %dma_start3A_37] : memref<10240x128xf32, #tpu.memory_space<hbm>> -> memref<10240x128xf32, #tpu.memory_space<hbm>>
    tpu.enqueue_indirect_dma source(%dma_start3A_38 : memref<10240x128xf32, #tpu.memory_space<hbm>>) target(%dma_start3A_32 : memref<128x128xf32, #tpu.memory_space<vmem>>) offsets(%dma_start3A_35 : memref<128xi32, #tpu.memory_space<vmem>>) semaphore(%arg10 : memref<!tpu.dma_semaphore, #tpu.memory_space<semaphore_mem>>)
    %scan3A_39 = arith.constant 0 : i32
    %scan3A_40 = arith.constant 0 : i32
    %scan3A_41 = arith.constant 80 : i32
    %scan3A_42 = arith.addi %scan3A_40, %scan3A_41 : i32
    %scan3A_43 = arith.constant 1 : i32
    scf.for %scan3A_50 = %scan3A_40 to %scan3A_42 step %scan3A_43  : i32 {
      %jit3A = arith.constant 16 : i32
      %eq3A = arith.constant 0 : i32
      %eq3A_51 = arith.cmpi eq, %jit3A, %eq3A : i32
      %jit3A_52 = arith.constant 1 : i32
      %select_n3A = arith.select %eq3A_51, %jit3A_52, %jit3A : i32
      %rem3A = arith.remsi %scan3A_50, %select_n3A : i32
      %ne3A = arith.constant 0 : i32
      %ne3A_53 = arith.cmpi ne, %rem3A, %ne3A : i32
      %lt3A = arith.constant 0 : i32
      %lt3A_54 = arith.cmpi slt, %rem3A, %lt3A : i32
      %lt3A_55 = arith.constant 0 : i32
      %lt3A_56 = arith.cmpi slt, %select_n3A, %lt3A_55 : i32
      %ne3A_57 = arith.xori %lt3A_54, %lt3A_56 : i1
      %and3A = arith.andi %ne3A_57, %ne3A_53 : i1
      %add3A_58 = arith.addi %rem3A, %select_n3A : i32
      %select_n3A_59 = arith.select %and3A, %add3A_58, %rem3A : i32
      %eq3A_60 = arith.constant 0 : i32
      %eq3A_61 = arith.cmpi eq, %select_n3A_59, %eq3A_60 : i32
      %jit3A_62 = arith.constant 16 : i32
      %div3A = arith.divsi %scan3A_50, %jit3A_62 : i32
      %sign3A = arith.constant 0 : i32
      %sign3A_63 = arith.cmpi sgt, %scan3A_50, %sign3A : i32
      %sign3A_64 = arith.extui %sign3A_63 : i1 to i32
      %sign3A_65 = arith.constant 0 : i32
      %sign3A_66 = arith.cmpi slt, %scan3A_50, %sign3A_65 : i32
      %sign3A_67 = arith.extui %sign3A_66 : i1 to i32
      %sign3A_68 = arith.subi %sign3A_64, %sign3A_67 : i32
      %sign3A_69 = arith.constant 0 : i32
      %sign3A_70 = arith.cmpi sgt, %jit3A_62, %sign3A_69 : i32
      %sign3A_71 = arith.extui %sign3A_70 : i1 to i32
      %sign3A_72 = arith.constant 0 : i32
      %sign3A_73 = arith.cmpi slt, %jit3A_62, %sign3A_72 : i32
      %sign3A_74 = arith.extui %sign3A_73 : i1 to i32
      %sign3A_75 = arith.subi %sign3A_71, %sign3A_74 : i32
      %ne3A_76 = arith.cmpi ne, %sign3A_68, %sign3A_75 : i32
      %rem3A_77 = arith.remsi %scan3A_50, %jit3A_62 : i32
      %ne3A_78 = arith.constant 0 : i32
      %ne3A_79 = arith.cmpi ne, %rem3A_77, %ne3A_78 : i32
      %and3A_80 = arith.andi %ne3A_76, %ne3A_79 : i1
      %sub3A = arith.constant 1 : i32
      %sub3A_81 = arith.subi %div3A, %sub3A : i32
      %select_n3A_82 = arith.select %and3A_80, %sub3A_81, %div3A : i32
      %add3A_83 = arith.constant 1 : i32
      %add3A_84 = arith.addi %select_n3A_82, %add3A_83 : i32
      %lt3A_85 = arith.constant 5 : i32
      %lt3A_86 = arith.cmpi slt, %add3A_84, %lt3A_85 : i32
      %and3A_87 = arith.andi %eq3A_61, %lt3A_86 : i1
      %convert_element_type3A = arith.extui %and3A_87 : i1 to i32
      %cond3A = arith.constant 0 : i32
      %cond3A_88 = arith.cmpi ne, %convert_element_type3A, %cond3A : i32
      scf.if %cond3A_88 {
        %jit3A_233 = arith.constant 16 : i32
        %div3A_234 = arith.divsi %scan3A_50, %jit3A_233 : i32
        %sign3A_235 = arith.constant 0 : i32
        %sign3A_236 = arith.cmpi sgt, %scan3A_50, %sign3A_235 : i32
        %sign3A_237 = arith.extui %sign3A_236 : i1 to i32
        %sign3A_238 = arith.constant 0 : i32
        %sign3A_239 = arith.cmpi slt, %scan3A_50, %sign3A_238 : i32
        %sign3A_240 = arith.extui %sign3A_239 : i1 to i32
        %sign3A_241 = arith.subi %sign3A_237, %sign3A_240 : i32
        %sign3A_242 = arith.constant 0 : i32
        %sign3A_243 = arith.cmpi sgt, %jit3A_233, %sign3A_242 : i32
        %sign3A_244 = arith.extui %sign3A_243 : i1 to i32
        %sign3A_245 = arith.constant 0 : i32
        %sign3A_246 = arith.cmpi slt, %jit3A_233, %sign3A_245 : i32
        %sign3A_247 = arith.extui %sign3A_246 : i1 to i32
        %sign3A_248 = arith.subi %sign3A_244, %sign3A_247 : i32
        %ne3A_249 = arith.cmpi ne, %sign3A_241, %sign3A_248 : i32
        %rem3A_250 = arith.remsi %scan3A_50, %jit3A_233 : i32
        %ne3A_251 = arith.constant 0 : i32
        %ne3A_252 = arith.cmpi ne, %rem3A_250, %ne3A_251 : i32
        %and3A_253 = arith.andi %ne3A_249, %ne3A_252 : i1
        %sub3A_254 = arith.constant 1 : i32
        %sub3A_255 = arith.subi %div3A_234, %sub3A_254 : i32
        %select_n3A_256 = arith.select %and3A_253, %sub3A_255, %div3A_234 : i32
        %add3A_257 = arith.constant 1 : i32
        %add3A_258 = arith.addi %select_n3A_256, %add3A_257 : i32
        %jit3A_259 = arith.constant 2 : i32
        %eq3A_260 = arith.constant 0 : i32
        %eq3A_261 = arith.cmpi eq, %jit3A_259, %eq3A_260 : i32
        %jit3A_262 = arith.constant 1 : i32
        %select_n3A_263 = arith.select %eq3A_261, %jit3A_262, %jit3A_259 : i32
        %rem3A_264 = arith.remsi %add3A_258, %select_n3A_263 : i32
        %ne3A_265 = arith.constant 0 : i32
        %ne3A_266 = arith.cmpi ne, %rem3A_264, %ne3A_265 : i32
        %lt3A_267 = arith.constant 0 : i32
        %lt3A_268 = arith.cmpi slt, %rem3A_264, %lt3A_267 : i32
        %lt3A_269 = arith.constant 0 : i32
        %lt3A_270 = arith.cmpi slt, %select_n3A_263, %lt3A_269 : i32
        %ne3A_271 = arith.xori %lt3A_268, %lt3A_270 : i1
        %and3A_272 = arith.andi %ne3A_271, %ne3A_266 : i1
        %add3A_273 = arith.addi %rem3A_264, %select_n3A_263 : i32
        %select_n3A_274 = arith.select %and3A_272, %add3A_273, %rem3A_264 : i32
        %mul3A_275 = arith.constant 16 : i32
        %mul3A_276 = arith.muli %add3A_258, %mul3A_275 : i32
        "tpu.region"() ({
          %run_scoped3A_279 = tpu.sem_alloc : memref<!tpu.dma_semaphore, #tpu.memory_space<semaphore_mem>>
          %dma_start3A_280 = arith.constant 0 : i32
          %dma_start3A_281 = arith.constant 0 : i32
          %dma_start3A_282 = tpu.memref_slice %arg6[%select_n3A_274, %dma_start3A_280, %dma_start3A_281] : memref<2x16x128xi32, #tpu.memory_space<vmem>> -> memref<1x16x128xi32, #tpu.memory_space<vmem>>
          %dma_start3A_283 = tpu.memref_squeeze %dma_start3A_282 : memref<1x16x128xi32, #tpu.memory_space<vmem>> -> memref<16x128xi32, #tpu.memory_space<vmem>>
          %dma_start3A_284 = arith.constant 0 : i32
          %dma_start3A_285 = tpu.memref_slice %arg3[%add3A, %mul3A_276, %dma_start3A_284] : memref<32x80x128xi32, #tpu.memory_space<hbm>> -> memref<1x16x128xi32, #tpu.memory_space<hbm>>
          %dma_start3A_286 = tpu.memref_squeeze %dma_start3A_285 : memref<1x16x128xi32, #tpu.memory_space<hbm>> -> memref<16x128xi32, #tpu.memory_space<hbm>>
          %dma_start3A_287 = arith.constant 0 : i32
          %dma_start3A_288 = arith.constant 0 : i32
          %dma_start3A_289 = tpu.memref_slice %arg6[%select_n3A_274, %dma_start3A_287, %dma_start3A_288] : memref<2x16x128xi32, #tpu.memory_space<vmem>> -> memref<1x16x128xi32, #tpu.memory_space<vmem>>
          %dma_start3A_290 = tpu.memref_squeeze %dma_start3A_289 : memref<1x16x128xi32, #tpu.memory_space<vmem>> -> memref<16x128xi32, #tpu.memory_space<vmem>>
          %dma_start3A_291 = arith.constant 0 : i32
          %dma_start3A_292 = tpu.memref_slice %arg3[%add3A, %mul3A_276, %dma_start3A_291] : memref<32x80x128xi32, #tpu.memory_space<hbm>> -> memref<1x16x128xi32, #tpu.memory_space<hbm>>
          %dma_start3A_293 = tpu.memref_squeeze %dma_start3A_292 : memref<1x16x128xi32, #tpu.memory_space<hbm>> -> memref<16x128xi32, #tpu.memory_space<hbm>>
          tpu.enqueue_dma source(%dma_start3A_293 : memref<16x128xi32, #tpu.memory_space<hbm>>) target(%dma_start3A_290 : memref<16x128xi32, #tpu.memory_space<vmem>>) target_semaphore(%run_scoped3A_279 : memref<!tpu.dma_semaphore, #tpu.memory_space<semaphore_mem>>)
          %dma_wait3A_294 = arith.constant 0 : i32
          %dma_wait3A_295 = arith.constant 0 : i32
          %dma_wait3A_296 = tpu.memref_slice %arg6[%select_n3A_274, %dma_wait3A_294, %dma_wait3A_295] : memref<2x16x128xi32, #tpu.memory_space<vmem>> -> memref<1x16x128xi32, #tpu.memory_space<vmem>>
          %dma_wait3A_297 = tpu.memref_squeeze %dma_wait3A_296 : memref<1x16x128xi32, #tpu.memory_space<vmem>> -> memref<16x128xi32, #tpu.memory_space<vmem>>
          %dma_wait3A_298 = arith.constant 0 : i32
          %dma_wait3A_299 = tpu.memref_slice %arg3[%add3A, %mul3A_276, %dma_wait3A_298] : memref<32x80x128xi32, #tpu.memory_space<hbm>> -> memref<1x16x128xi32, #tpu.memory_space<hbm>>
          %dma_wait3A_300 = tpu.memref_squeeze %dma_wait3A_299 : memref<1x16x128xi32, #tpu.memory_space<hbm>> -> memref<16x128xi32, #tpu.memory_space<hbm>>
          %dma_wait3A_301 = arith.constant 0 : i32
          %dma_wait3A_302 = arith.constant 0 : i32
          %dma_wait3A_303 = tpu.memref_slice %arg6[%select_n3A_274, %dma_wait3A_301, %dma_wait3A_302] : memref<2x16x128xi32, #tpu.memory_space<vmem>> -> memref<1x16x128xi32, #tpu.memory_space<vmem>>
          %dma_wait3A_304 = tpu.memref_squeeze %dma_wait3A_303 : memref<1x16x128xi32, #tpu.memory_space<vmem>> -> memref<16x128xi32, #tpu.memory_space<vmem>>
          %dma_wait3A_305 = arith.constant 0 : i32
          %dma_wait3A_306 = tpu.memref_slice %arg3[%add3A, %mul3A_276, %dma_wait3A_305] : memref<32x80x128xi32, #tpu.memory_space<hbm>> -> memref<1x16x128xi32, #tpu.memory_space<hbm>>
          %dma_wait3A_307 = tpu.memref_squeeze %dma_wait3A_306 : memref<1x16x128xi32, #tpu.memory_space<hbm>> -> memref<16x128xi32, #tpu.memory_space<hbm>>
          tpu.wait_dma2 semaphore(%run_scoped3A_279 : memref<!tpu.dma_semaphore, #tpu.memory_space<semaphore_mem>>) src(%dma_wait3A_307 : memref<16x128xi32, #tpu.memory_space<hbm>>) dst(%dma_wait3A_304 : memref<16x128xi32, #tpu.memory_space<vmem>>)
          tpu.yield
        }) : () -> ()
        %mul3A_277 = arith.constant 16 : i32
        %mul3A_278 = arith.muli %add3A_258, %mul3A_277 : i32
        "tpu.region"() ({
          %run_scoped3A_279 = tpu.sem_alloc : memref<!tpu.dma_semaphore, #tpu.memory_space<semaphore_mem>>
          %dma_start3A_280 = arith.constant 0 : i32
          %dma_start3A_281 = arith.constant 0 : i32
          %dma_start3A_282 = tpu.memref_slice %arg7[%select_n3A_274, %dma_start3A_280, %dma_start3A_281] : memref<2x16x128xi32, #tpu.memory_space<vmem>> -> memref<1x16x128xi32, #tpu.memory_space<vmem>>
          %dma_start3A_283 = tpu.memref_squeeze %dma_start3A_282 : memref<1x16x128xi32, #tpu.memory_space<vmem>> -> memref<16x128xi32, #tpu.memory_space<vmem>>
          %dma_start3A_284 = arith.constant 0 : i32
          %dma_start3A_285 = tpu.memref_slice %arg4[%add3A, %mul3A_278, %dma_start3A_284] : memref<32x80x128xi32, #tpu.memory_space<hbm>> -> memref<1x16x128xi32, #tpu.memory_space<hbm>>
          %dma_start3A_286 = tpu.memref_squeeze %dma_start3A_285 : memref<1x16x128xi32, #tpu.memory_space<hbm>> -> memref<16x128xi32, #tpu.memory_space<hbm>>
          %dma_start3A_287 = arith.constant 0 : i32
          %dma_start3A_288 = arith.constant 0 : i32
          %dma_start3A_289 = tpu.memref_slice %arg7[%select_n3A_274, %dma_start3A_287, %dma_start3A_288] : memref<2x16x128xi32, #tpu.memory_space<vmem>> -> memref<1x16x128xi32, #tpu.memory_space<vmem>>
          %dma_start3A_290 = tpu.memref_squeeze %dma_start3A_289 : memref<1x16x128xi32, #tpu.memory_space<vmem>> -> memref<16x128xi32, #tpu.memory_space<vmem>>
          %dma_start3A_291 = arith.constant 0 : i32
          %dma_start3A_292 = tpu.memref_slice %arg4[%add3A, %mul3A_278, %dma_start3A_291] : memref<32x80x128xi32, #tpu.memory_space<hbm>> -> memref<1x16x128xi32, #tpu.memory_space<hbm>>
          %dma_start3A_293 = tpu.memref_squeeze %dma_start3A_292 : memref<1x16x128xi32, #tpu.memory_space<hbm>> -> memref<16x128xi32, #tpu.memory_space<hbm>>
          tpu.enqueue_dma source(%dma_start3A_293 : memref<16x128xi32, #tpu.memory_space<hbm>>) target(%dma_start3A_290 : memref<16x128xi32, #tpu.memory_space<vmem>>) target_semaphore(%run_scoped3A_279 : memref<!tpu.dma_semaphore, #tpu.memory_space<semaphore_mem>>)
          %dma_wait3A_294 = arith.constant 0 : i32
          %dma_wait3A_295 = arith.constant 0 : i32
          %dma_wait3A_296 = tpu.memref_slice %arg7[%select_n3A_274, %dma_wait3A_294, %dma_wait3A_295] : memref<2x16x128xi32, #tpu.memory_space<vmem>> -> memref<1x16x128xi32, #tpu.memory_space<vmem>>
          %dma_wait3A_297 = tpu.memref_squeeze %dma_wait3A_296 : memref<1x16x128xi32, #tpu.memory_space<vmem>> -> memref<16x128xi32, #tpu.memory_space<vmem>>
          %dma_wait3A_298 = arith.constant 0 : i32
          %dma_wait3A_299 = tpu.memref_slice %arg4[%add3A, %mul3A_278, %dma_wait3A_298] : memref<32x80x128xi32, #tpu.memory_space<hbm>> -> memref<1x16x128xi32, #tpu.memory_space<hbm>>
          %dma_wait3A_300 = tpu.memref_squeeze %dma_wait3A_299 : memref<1x16x128xi32, #tpu.memory_space<hbm>> -> memref<16x128xi32, #tpu.memory_space<hbm>>
          %dma_wait3A_301 = arith.constant 0 : i32
          %dma_wait3A_302 = arith.constant 0 : i32
          %dma_wait3A_303 = tpu.memref_slice %arg7[%select_n3A_274, %dma_wait3A_301, %dma_wait3A_302] : memref<2x16x128xi32, #tpu.memory_space<vmem>> -> memref<1x16x128xi32, #tpu.memory_space<vmem>>
          %dma_wait3A_304 = tpu.memref_squeeze %dma_wait3A_303 : memref<1x16x128xi32, #tpu.memory_space<vmem>> -> memref<16x128xi32, #tpu.memory_space<vmem>>
          %dma_wait3A_305 = arith.constant 0 : i32
          %dma_wait3A_306 = tpu.memref_slice %arg4[%add3A, %mul3A_278, %dma_wait3A_305] : memref<32x80x128xi32, #tpu.memory_space<hbm>> -> memref<1x16x128xi32, #tpu.memory_space<hbm>>
          %dma_wait3A_307 = tpu.memref_squeeze %dma_wait3A_306 : memref<1x16x128xi32, #tpu.memory_space<hbm>> -> memref<16x128xi32, #tpu.memory_space<hbm>>
          tpu.wait_dma2 semaphore(%run_scoped3A_279 : memref<!tpu.dma_semaphore, #tpu.memory_space<semaphore_mem>>) src(%dma_wait3A_307 : memref<16x128xi32, #tpu.memory_space<hbm>>) dst(%dma_wait3A_304 : memref<16x128xi32, #tpu.memory_space<vmem>>)
          tpu.yield
        }) : () -> ()
      } else {
      }
      %jit3A_89 = arith.constant 2 : i32
      %eq3A_90 = arith.constant 0 : i32
      %eq3A_91 = arith.cmpi eq, %jit3A_89, %eq3A_90 : i32
      %jit3A_92 = arith.constant 1 : i32
      %select_n3A_93 = arith.select %eq3A_91, %jit3A_92, %jit3A_89 : i32
      %rem3A_94 = arith.remsi %scan3A_50, %select_n3A_93 : i32
      %ne3A_95 = arith.constant 0 : i32
      %ne3A_96 = arith.cmpi ne, %rem3A_94, %ne3A_95 : i32
      %lt3A_97 = arith.constant 0 : i32
      %lt3A_98 = arith.cmpi slt, %rem3A_94, %lt3A_97 : i32
      %lt3A_99 = arith.constant 0 : i32
      %lt3A_100 = arith.cmpi slt, %select_n3A_93, %lt3A_99 : i32
      %ne3A_101 = arith.xori %lt3A_98, %lt3A_100 : i1
      %and3A_102 = arith.andi %ne3A_101, %ne3A_96 : i1
      %add3A_103 = arith.addi %rem3A_94, %select_n3A_93 : i32
      %select_n3A_104 = arith.select %and3A_102, %add3A_103, %rem3A_94 : i32
      %jit3A_105 = arith.constant 16 : i32
      %div3A_106 = arith.divsi %scan3A_50, %jit3A_105 : i32
      %sign3A_107 = arith.constant 0 : i32
      %sign3A_108 = arith.cmpi sgt, %scan3A_50, %sign3A_107 : i32
      %sign3A_109 = arith.extui %sign3A_108 : i1 to i32
      %sign3A_110 = arith.constant 0 : i32
      %sign3A_111 = arith.cmpi slt, %scan3A_50, %sign3A_110 : i32
      %sign3A_112 = arith.extui %sign3A_111 : i1 to i32
      %sign3A_113 = arith.subi %sign3A_109, %sign3A_112 : i32
      %sign3A_114 = arith.constant 0 : i32
      %sign3A_115 = arith.cmpi sgt, %jit3A_105, %sign3A_114 : i32
      %sign3A_116 = arith.extui %sign3A_115 : i1 to i32
      %sign3A_117 = arith.constant 0 : i32
      %sign3A_118 = arith.cmpi slt, %jit3A_105, %sign3A_117 : i32
      %sign3A_119 = arith.extui %sign3A_118 : i1 to i32
      %sign3A_120 = arith.subi %sign3A_116, %sign3A_119 : i32
      %ne3A_121 = arith.cmpi ne, %sign3A_113, %sign3A_120 : i32
      %rem3A_122 = arith.remsi %scan3A_50, %jit3A_105 : i32
      %ne3A_123 = arith.constant 0 : i32
      %ne3A_124 = arith.cmpi ne, %rem3A_122, %ne3A_123 : i32
      %and3A_125 = arith.andi %ne3A_121, %ne3A_124 : i1
      %sub3A_126 = arith.constant 1 : i32
      %sub3A_127 = arith.subi %div3A_106, %sub3A_126 : i32
      %select_n3A_128 = arith.select %and3A_125, %sub3A_127, %div3A_106 : i32
      %jit3A_129 = arith.constant 2 : i32
      %eq3A_130 = arith.constant 0 : i32
      %eq3A_131 = arith.cmpi eq, %jit3A_129, %eq3A_130 : i32
      %jit3A_132 = arith.constant 1 : i32
      %select_n3A_133 = arith.select %eq3A_131, %jit3A_132, %jit3A_129 : i32
      %rem3A_134 = arith.remsi %select_n3A_128, %select_n3A_133 : i32
      %ne3A_135 = arith.constant 0 : i32
      %ne3A_136 = arith.cmpi ne, %rem3A_134, %ne3A_135 : i32
      %lt3A_137 = arith.constant 0 : i32
      %lt3A_138 = arith.cmpi slt, %rem3A_134, %lt3A_137 : i32
      %lt3A_139 = arith.constant 0 : i32
      %lt3A_140 = arith.cmpi slt, %select_n3A_133, %lt3A_139 : i32
      %ne3A_141 = arith.xori %lt3A_138, %lt3A_140 : i1
      %and3A_142 = arith.andi %ne3A_141, %ne3A_136 : i1
      %add3A_143 = arith.addi %rem3A_134, %select_n3A_133 : i32
      %select_n3A_144 = arith.select %and3A_142, %add3A_143, %rem3A_134 : i32
      %jit3A_145 = arith.constant 16 : i32
      %eq3A_146 = arith.constant 0 : i32
      %eq3A_147 = arith.cmpi eq, %jit3A_145, %eq3A_146 : i32
      %jit3A_148 = arith.constant 1 : i32
      %select_n3A_149 = arith.select %eq3A_147, %jit3A_148, %jit3A_145 : i32
      %rem3A_150 = arith.remsi %scan3A_50, %select_n3A_149 : i32
      %ne3A_151 = arith.constant 0 : i32
      %ne3A_152 = arith.cmpi ne, %rem3A_150, %ne3A_151 : i32
      %lt3A_153 = arith.constant 0 : i32
      %lt3A_154 = arith.cmpi slt, %rem3A_150, %lt3A_153 : i32
      %lt3A_155 = arith.constant 0 : i32
      %lt3A_156 = arith.cmpi slt, %select_n3A_149, %lt3A_155 : i32
      %ne3A_157 = arith.xori %lt3A_154, %lt3A_156 : i1
      %and3A_158 = arith.andi %ne3A_157, %ne3A_152 : i1
      %add3A_159 = arith.addi %rem3A_150, %select_n3A_149 : i32
      %select_n3A_160 = arith.select %and3A_158, %add3A_159, %rem3A_150 : i32
      %dma_wait3A = arith.constant 0 : i32
      %dma_wait3A_161 = arith.constant 0 : i32
      %dma_wait3A_162 = tpu.memref_slice %arg8[%select_n3A_104, %dma_wait3A, %dma_wait3A_161] : memref<2x128x128xf32, #tpu.memory_space<vmem>> -> memref<1x128x128xf32, #tpu.memory_space<vmem>>
      %dma_wait3A_163 = tpu.memref_squeeze %dma_wait3A_162 : memref<1x128x128xf32, #tpu.memory_space<vmem>> -> memref<128x128xf32, #tpu.memory_space<vmem>>
      %dma_wait3A_164 = arith.constant 0 : i32
      %dma_wait3A_165 = tpu.memref_slice %arg6[%select_n3A_144, %select_n3A_160, %dma_wait3A_164] : memref<2x16x128xi32, #tpu.memory_space<vmem>> -> memref<1x1x128xi32, #tpu.memory_space<vmem>>
      %dma_wait3A_166 = tpu.memref_squeeze %dma_wait3A_165 : memref<1x1x128xi32, #tpu.memory_space<vmem>> -> memref<128xi32, #tpu.memory_space<vmem>>
      %dma_wait3A_167 = arith.constant 0 : i32
      %dma_wait3A_168 = arith.constant 0 : i32
      %dma_wait3A_169 = tpu.memref_slice %arg2[%dma_wait3A_167, %dma_wait3A_168] : memref<10240x128xf32, #tpu.memory_space<hbm>> -> memref<10240x128xf32, #tpu.memory_space<hbm>>
      tpu.wait_indirect_dma semaphore(%arg10 : memref<!tpu.dma_semaphore, #tpu.memory_space<semaphore_mem>>) src(%dma_wait3A_169 : memref<10240x128xf32, #tpu.memory_space<hbm>>) dst(%dma_wait3A_163 : memref<128x128xf32, #tpu.memory_space<vmem>>)
      %jit3A_170 = arith.constant 16 : i32
      %div3A_171 = arith.divsi %scan3A_50, %jit3A_170 : i32
      %sign3A_172 = arith.constant 0 : i32
      %sign3A_173 = arith.cmpi sgt, %scan3A_50, %sign3A_172 : i32
      %sign3A_174 = arith.extui %sign3A_173 : i1 to i32
      %sign3A_175 = arith.constant 0 : i32
      %sign3A_176 = arith.cmpi slt, %scan3A_50, %sign3A_175 : i32
      %sign3A_177 = arith.extui %sign3A_176 : i1 to i32
      %sign3A_178 = arith.subi %sign3A_174, %sign3A_177 : i32
      %sign3A_179 = arith.constant 0 : i32
      %sign3A_180 = arith.cmpi sgt, %jit3A_170, %sign3A_179 : i32
      %sign3A_181 = arith.extui %sign3A_180 : i1 to i32
      %sign3A_182 = arith.constant 0 : i32
      %sign3A_183 = arith.cmpi slt, %jit3A_170, %sign3A_182 : i32
      %sign3A_184 = arith.extui %sign3A_183 : i1 to i32
      %sign3A_185 = arith.subi %sign3A_181, %sign3A_184 : i32
      %ne3A_186 = arith.cmpi ne, %sign3A_178, %sign3A_185 : i32
      %rem3A_187 = arith.remsi %scan3A_50, %jit3A_170 : i32
      %ne3A_188 = arith.constant 0 : i32
      %ne3A_189 = arith.cmpi ne, %rem3A_187, %ne3A_188 : i32
      %and3A_190 = arith.andi %ne3A_186, %ne3A_189 : i1
      %sub3A_191 = arith.constant 1 : i32
      %sub3A_192 = arith.subi %div3A_171, %sub3A_191 : i32
      %select_n3A_193 = arith.select %and3A_190, %sub3A_192, %div3A_171 : i32
      %jit3A_194 = arith.constant 2 : i32
      %eq3A_195 = arith.constant 0 : i32
      %eq3A_196 = arith.cmpi eq, %jit3A_194, %eq3A_195 : i32
      %jit3A_197 = arith.constant 1 : i32
      %select_n3A_198 = arith.select %eq3A_196, %jit3A_197, %jit3A_194 : i32
      %rem3A_199 = arith.remsi %select_n3A_193, %select_n3A_198 : i32
      %ne3A_200 = arith.constant 0 : i32
      %ne3A_201 = arith.cmpi ne, %rem3A_199, %ne3A_200 : i32
      %lt3A_202 = arith.constant 0 : i32
      %lt3A_203 = arith.cmpi slt, %rem3A_199, %lt3A_202 : i32
      %lt3A_204 = arith.constant 0 : i32
      %lt3A_205 = arith.cmpi slt, %select_n3A_198, %lt3A_204 : i32
      %ne3A_206 = arith.xori %lt3A_203, %lt3A_205 : i1
      %and3A_207 = arith.andi %ne3A_206, %ne3A_201 : i1
      %add3A_208 = arith.addi %rem3A_199, %select_n3A_198 : i32
      %select_n3A_209 = arith.select %and3A_207, %add3A_208, %rem3A_199 : i32
      %jit3A_210 = arith.constant 16 : i32
      %eq3A_211 = arith.constant 0 : i32
      %eq3A_212 = arith.cmpi eq, %jit3A_210, %eq3A_211 : i32
      %jit3A_213 = arith.constant 1 : i32
      %select_n3A_214 = arith.select %eq3A_212, %jit3A_213, %jit3A_210 : i32
      %rem3A_215 = arith.remsi %scan3A_50, %select_n3A_214 : i32
      %ne3A_216 = arith.constant 0 : i32
      %ne3A_217 = arith.cmpi ne, %rem3A_215, %ne3A_216 : i32
      %lt3A_218 = arith.constant 0 : i32
      %lt3A_219 = arith.cmpi slt, %rem3A_215, %lt3A_218 : i32
      %lt3A_220 = arith.constant 0 : i32
      %lt3A_221 = arith.cmpi slt, %select_n3A_214, %lt3A_220 : i32
      %ne3A_222 = arith.xori %lt3A_219, %lt3A_221 : i1
      %and3A_223 = arith.andi %ne3A_222, %ne3A_217 : i1
      %add3A_224 = arith.addi %rem3A_215, %select_n3A_214 : i32
      %select_n3A_225 = arith.select %and3A_223, %add3A_224, %rem3A_215 : i32
      "tpu.region"() ({
        %run_scoped3A_233 = tpu.sem_alloc : memref<!tpu.dma_semaphore, #tpu.memory_space<semaphore_mem>>
        %dma_start3A_234 = arith.constant 0 : i32
        %dma_start3A_235 = arith.constant 0 : i32
        %dma_start3A_236 = tpu.memref_slice %arg8[%select_n3A_104, %dma_start3A_234, %dma_start3A_235] : memref<2x128x128xf32, #tpu.memory_space<vmem>> -> memref<1x128x128xf32, #tpu.memory_space<vmem>>
        %dma_start3A_237 = tpu.memref_squeeze %dma_start3A_236 : memref<1x128x128xf32, #tpu.memory_space<vmem>> -> memref<128x128xf32, #tpu.memory_space<vmem>>
        %dma_start3A_238 = arith.constant 0 : i32
        %dma_start3A_239 = tpu.memref_slice %arg7[%select_n3A_209, %select_n3A_225, %dma_start3A_238] : memref<2x16x128xi32, #tpu.memory_space<vmem>> -> memref<1x1x128xi32, #tpu.memory_space<vmem>>
        %dma_start3A_240 = tpu.memref_squeeze %dma_start3A_239 : memref<1x1x128xi32, #tpu.memory_space<vmem>> -> memref<128xi32, #tpu.memory_space<vmem>>
        %dma_start3A_241 = arith.constant 0 : i32
        %dma_start3A_242 = arith.constant 0 : i32
        %dma_start3A_243 = tpu.memref_slice %arg9[%dma_start3A_241, %dma_start3A_242] : memref<10240x128xf32, #tpu.memory_space<vmem_shared>> -> memref<10240x128xf32, #tpu.memory_space<vmem_shared>>
        tpu.enqueue_indirect_dma source(%dma_start3A_237 : memref<128x128xf32, #tpu.memory_space<vmem>>) target(%dma_start3A_243 : memref<10240x128xf32, #tpu.memory_space<vmem_shared>>) offsets(%dma_start3A_240 : memref<128xi32, #tpu.memory_space<vmem>>) semaphore(%run_scoped3A_233 : memref<!tpu.dma_semaphore, #tpu.memory_space<semaphore_mem>>) {add = true}
        %dma_wait3A_244 = arith.constant 0 : i32
        %dma_wait3A_245 = arith.constant 0 : i32
        %dma_wait3A_246 = tpu.memref_slice %arg8[%select_n3A_104, %dma_wait3A_244, %dma_wait3A_245] : memref<2x128x128xf32, #tpu.memory_space<vmem>> -> memref<1x128x128xf32, #tpu.memory_space<vmem>>
        %dma_wait3A_247 = tpu.memref_squeeze %dma_wait3A_246 : memref<1x128x128xf32, #tpu.memory_space<vmem>> -> memref<128x128xf32, #tpu.memory_space<vmem>>
        %dma_wait3A_248 = arith.constant 0 : i32
        %dma_wait3A_249 = tpu.memref_slice %arg7[%select_n3A_209, %select_n3A_225, %dma_wait3A_248] : memref<2x16x128xi32, #tpu.memory_space<vmem>> -> memref<1x1x128xi32, #tpu.memory_space<vmem>>
        %dma_wait3A_250 = tpu.memref_squeeze %dma_wait3A_249 : memref<1x1x128xi32, #tpu.memory_space<vmem>> -> memref<128xi32, #tpu.memory_space<vmem>>
        %dma_wait3A_251 = arith.constant 0 : i32
        %dma_wait3A_252 = arith.constant 0 : i32
        %dma_wait3A_253 = tpu.memref_slice %arg9[%dma_wait3A_251, %dma_wait3A_252] : memref<10240x128xf32, #tpu.memory_space<vmem_shared>> -> memref<10240x128xf32, #tpu.memory_space<vmem_shared>>
        tpu.wait_indirect_dma semaphore(%run_scoped3A_233 : memref<!tpu.dma_semaphore, #tpu.memory_space<semaphore_mem>>) src(%dma_wait3A_247 : memref<128x128xf32, #tpu.memory_space<vmem>>) dst(%dma_wait3A_253 : memref<10240x128xf32, #tpu.memory_space<vmem_shared>>)
        tpu.yield
      }) : () -> ()
      %add3A_226 = arith.constant 2 : i32
      %add3A_227 = arith.addi %scan3A_50, %add3A_226 : i32
      %lt3A_228 = arith.constant 80 : i32
      %lt3A_229 = arith.cmpi slt, %add3A_227, %lt3A_228 : i32
      %convert_element_type3A_230 = arith.extui %lt3A_229 : i1 to i32
      %cond3A_231 = arith.constant 0 : i32
      %cond3A_232 = arith.cmpi ne, %convert_element_type3A_230, %cond3A_231 : i32
      scf.if %cond3A_232 {
        %add3A_233 = arith.constant 2 : i32
        %add3A_234 = arith.addi %scan3A_50, %add3A_233 : i32
        %jit3A_235 = arith.constant 16 : i32
        %div3A_236 = arith.divsi %add3A_234, %jit3A_235 : i32
        %sign3A_237 = arith.constant 0 : i32
        %sign3A_238 = arith.cmpi sgt, %add3A_234, %sign3A_237 : i32
        %sign3A_239 = arith.extui %sign3A_238 : i1 to i32
        %sign3A_240 = arith.constant 0 : i32
        %sign3A_241 = arith.cmpi slt, %add3A_234, %sign3A_240 : i32
        %sign3A_242 = arith.extui %sign3A_241 : i1 to i32
        %sign3A_243 = arith.subi %sign3A_239, %sign3A_242 : i32
        %sign3A_244 = arith.constant 0 : i32
        %sign3A_245 = arith.cmpi sgt, %jit3A_235, %sign3A_244 : i32
        %sign3A_246 = arith.extui %sign3A_245 : i1 to i32
        %sign3A_247 = arith.constant 0 : i32
        %sign3A_248 = arith.cmpi slt, %jit3A_235, %sign3A_247 : i32
        %sign3A_249 = arith.extui %sign3A_248 : i1 to i32
        %sign3A_250 = arith.subi %sign3A_246, %sign3A_249 : i32
        %ne3A_251 = arith.cmpi ne, %sign3A_243, %sign3A_250 : i32
        %rem3A_252 = arith.remsi %add3A_234, %jit3A_235 : i32
        %ne3A_253 = arith.constant 0 : i32
        %ne3A_254 = arith.cmpi ne, %rem3A_252, %ne3A_253 : i32
        %and3A_255 = arith.andi %ne3A_251, %ne3A_254 : i1
        %sub3A_256 = arith.constant 1 : i32
        %sub3A_257 = arith.subi %div3A_236, %sub3A_256 : i32
        %select_n3A_258 = arith.select %and3A_255, %sub3A_257, %div3A_236 : i32
        %jit3A_259 = arith.constant 2 : i32
        %eq3A_260 = arith.constant 0 : i32
        %eq3A_261 = arith.cmpi eq, %jit3A_259, %eq3A_260 : i32
        %jit3A_262 = arith.constant 1 : i32
        %select_n3A_263 = arith.select %eq3A_261, %jit3A_262, %jit3A_259 : i32
        %rem3A_264 = arith.remsi %select_n3A_258, %select_n3A_263 : i32
        %ne3A_265 = arith.constant 0 : i32
        %ne3A_266 = arith.cmpi ne, %rem3A_264, %ne3A_265 : i32
        %lt3A_267 = arith.constant 0 : i32
        %lt3A_268 = arith.cmpi slt, %rem3A_264, %lt3A_267 : i32
        %lt3A_269 = arith.constant 0 : i32
        %lt3A_270 = arith.cmpi slt, %select_n3A_263, %lt3A_269 : i32
        %ne3A_271 = arith.xori %lt3A_268, %lt3A_270 : i1
        %and3A_272 = arith.andi %ne3A_271, %ne3A_266 : i1
        %add3A_273 = arith.addi %rem3A_264, %select_n3A_263 : i32
        %select_n3A_274 = arith.select %and3A_272, %add3A_273, %rem3A_264 : i32
        %jit3A_275 = arith.constant 16 : i32
        %eq3A_276 = arith.constant 0 : i32
        %eq3A_277 = arith.cmpi eq, %jit3A_275, %eq3A_276 : i32
        %jit3A_278 = arith.constant 1 : i32
        %select_n3A_279 = arith.select %eq3A_277, %jit3A_278, %jit3A_275 : i32
        %rem3A_280 = arith.remsi %add3A_234, %select_n3A_279 : i32
        %ne3A_281 = arith.constant 0 : i32
        %ne3A_282 = arith.cmpi ne, %rem3A_280, %ne3A_281 : i32
        %lt3A_283 = arith.constant 0 : i32
        %lt3A_284 = arith.cmpi slt, %rem3A_280, %lt3A_283 : i32
        %lt3A_285 = arith.constant 0 : i32
        %lt3A_286 = arith.cmpi slt, %select_n3A_279, %lt3A_285 : i32
        %ne3A_287 = arith.xori %lt3A_284, %lt3A_286 : i1
        %and3A_288 = arith.andi %ne3A_287, %ne3A_282 : i1
        %add3A_289 = arith.addi %rem3A_280, %select_n3A_279 : i32
        %select_n3A_290 = arith.select %and3A_288, %add3A_289, %rem3A_280 : i32
        %jit3A_291 = arith.constant 2 : i32
        %eq3A_292 = arith.constant 0 : i32
        %eq3A_293 = arith.cmpi eq, %jit3A_291, %eq3A_292 : i32
        %jit3A_294 = arith.constant 1 : i32
        %select_n3A_295 = arith.select %eq3A_293, %jit3A_294, %jit3A_291 : i32
        %rem3A_296 = arith.remsi %add3A_234, %select_n3A_295 : i32
        %ne3A_297 = arith.constant 0 : i32
        %ne3A_298 = arith.cmpi ne, %rem3A_296, %ne3A_297 : i32
        %lt3A_299 = arith.constant 0 : i32
        %lt3A_300 = arith.cmpi slt, %rem3A_296, %lt3A_299 : i32
        %lt3A_301 = arith.constant 0 : i32
        %lt3A_302 = arith.cmpi slt, %select_n3A_295, %lt3A_301 : i32
        %ne3A_303 = arith.xori %lt3A_300, %lt3A_302 : i1
        %and3A_304 = arith.andi %ne3A_303, %ne3A_298 : i1
        %add3A_305 = arith.addi %rem3A_296, %select_n3A_295 : i32
        %select_n3A_306 = arith.select %and3A_304, %add3A_305, %rem3A_296 : i32
        %dma_start3A_307 = arith.constant 0 : i32
        %dma_start3A_308 = arith.constant 0 : i32
        %dma_start3A_309 = tpu.memref_slice %arg8[%select_n3A_306, %dma_start3A_307, %dma_start3A_308] : memref<2x128x128xf32, #tpu.memory_space<vmem>> -> memref<1x128x128xf32, #tpu.memory_space<vmem>>
        %dma_start3A_310 = tpu.memref_squeeze %dma_start3A_309 : memref<1x128x128xf32, #tpu.memory_space<vmem>> -> memref<128x128xf32, #tpu.memory_space<vmem>>
        %dma_start3A_311 = arith.constant 0 : i32
        %dma_start3A_312 = tpu.memref_slice %arg6[%select_n3A_274, %select_n3A_290, %dma_start3A_311] : memref<2x16x128xi32, #tpu.memory_space<vmem>> -> memref<1x1x128xi32, #tpu.memory_space<vmem>>
        %dma_start3A_313 = tpu.memref_squeeze %dma_start3A_312 : memref<1x1x128xi32, #tpu.memory_space<vmem>> -> memref<128xi32, #tpu.memory_space<vmem>>
        %dma_start3A_314 = arith.constant 0 : i32
        %dma_start3A_315 = arith.constant 0 : i32
        %dma_start3A_316 = tpu.memref_slice %arg2[%dma_start3A_314, %dma_start3A_315] : memref<10240x128xf32, #tpu.memory_space<hbm>> -> memref<10240x128xf32, #tpu.memory_space<hbm>>
        tpu.enqueue_indirect_dma source(%dma_start3A_316 : memref<10240x128xf32, #tpu.memory_space<hbm>>) target(%dma_start3A_310 : memref<128x128xf32, #tpu.memory_space<vmem>>) offsets(%dma_start3A_313 : memref<128xi32, #tpu.memory_space<vmem>>) semaphore(%arg10 : memref<!tpu.dma_semaphore, #tpu.memory_space<semaphore_mem>>)
      } else {
      }
    }
    %scan3A_44 = arith.constant 80 : i32
    %barrier3A_45 = arith.constant 0 : index
    tpu.barrier barrier_id(%barrier3A_45)
    %mul3A_46 = arith.constant 640 : i32
    %mul3A_47 = arith.muli %arg1, %mul3A_46 : i32
    %mul3A_48 = arith.constant 640 : i32
    %mul3A_49 = arith.muli %arg1, %mul3A_48 : i32
    "tpu.region"() ({
      %run_scoped3A_50 = tpu.sem_alloc : memref<!tpu.dma_semaphore, #tpu.memory_space<semaphore_mem>>
      %dma_start3A_51 = arith.constant 0 : i32
      %dma_start3A_52 = tpu.memref_slice %arg5[%arg0, %mul3A_49, %dma_start3A_51] : memref<2x10240x128xf32, #tpu.memory_space<hbm>> -> memref<1x640x128xf32, #tpu.memory_space<hbm>>
      %dma_start3A_53 = tpu.memref_squeeze %dma_start3A_52 : memref<1x640x128xf32, #tpu.memory_space<hbm>> -> memref<640x128xf32, #tpu.memory_space<hbm>>
      %dma_start3A_54 = arith.constant 0 : i32
      %dma_start3A_55 = tpu.memref_slice %arg9[%mul3A_47, %dma_start3A_54] : memref<10240x128xf32, #tpu.memory_space<vmem_shared>> -> memref<640x128xf32, #tpu.memory_space<vmem_shared>>
      tpu.enqueue_dma source(%dma_start3A_55 : memref<640x128xf32, #tpu.memory_space<vmem_shared>>) target(%dma_start3A_53 : memref<640x128xf32, #tpu.memory_space<hbm>>) target_semaphore(%run_scoped3A_50 : memref<!tpu.dma_semaphore, #tpu.memory_space<semaphore_mem>>)
      %dma_wait3A = arith.constant 0 : i32
      %dma_wait3A_56 = tpu.memref_slice %arg5[%arg0, %mul3A_49, %dma_wait3A] : memref<2x10240x128xf32, #tpu.memory_space<hbm>> -> memref<1x640x128xf32, #tpu.memory_space<hbm>>
      %dma_wait3A_57 = tpu.memref_squeeze %dma_wait3A_56 : memref<1x640x128xf32, #tpu.memory_space<hbm>> -> memref<640x128xf32, #tpu.memory_space<hbm>>
      %dma_wait3A_58 = arith.constant 0 : i32
      %dma_wait3A_59 = tpu.memref_slice %arg9[%mul3A_47, %dma_wait3A_58] : memref<10240x128xf32, #tpu.memory_space<vmem_shared>> -> memref<640x128xf32, #tpu.memory_space<vmem_shared>>
      tpu.wait_dma2 semaphore(%run_scoped3A_50 : memref<!tpu.dma_semaphore, #tpu.memory_space<semaphore_mem>>) src(%dma_wait3A_59 : memref<640x128xf32, #tpu.memory_space<vmem_shared>>) dst(%dma_wait3A_57 : memref<640x128xf32, #tpu.memory_space<hbm>>)
      tpu.yield
    }) : () -> ()
    return
  }
}

module attributes {stable_mosaic.version = 14 : i64} {
  func.func @body(%arg0: i32, %arg1: memref<1280x128xf32, #tpu.memory_space<vmem>>, %arg2: memref<1280x128xf32, #tpu.memory_space<vmem>>, %arg3: memref<128x128xf32, #tpu.memory_space<vmem>>, %arg4: memref<32x1280xf32, #tpu.memory_space<vmem>>, %arg5: memref<1280x128xf32, #tpu.memory_space<vmem>>, %arg6: memref<1280x1xf32, #tpu.memory_space<vmem>>) attributes {dimension_semantics = [#tpu.dimension_semantics<arbitrary>], iteration_bounds = array<i64: 8>, scalar_prefetch = 0 : i64, scratch_operands = 0 : i64, tpu.core_type = #tpu.core_type<tc>, window_params = [{transform_indices = @transform_0, window_bounds = array<i64: 1280, 128>}, {transform_indices = @transform_1, window_bounds = array<i64: 1280, 128>}, {pipeline_mode = #tpu.pipeline_mode<synchronous>, transform_indices = @transform_2, window_bounds = array<i64: 128, 128>}, {transform_indices = @transform_3, window_bounds = array<i64: 32, 1280>}, {transform_indices = @transform_4, window_bounds = array<i64: 1280, 128>}, {transform_indices = @transform_5, window_bounds = array<i64: 1280, 1>}]} {
    %broadcast_in_dim3A = arith.constant 1.000000e+00 : f32
    %broadcast_in_dim3A_0 = vector.broadcast %broadcast_in_dim3A : f32 to vector<32x1xf32>
    %get3A = arith.constant 0 : index
    %get3A_1 = arith.constant 0 : index
    %get3A_2 = vector.load %arg4[%get3A, %get3A_1] : memref<32x1280xf32, #tpu.memory_space<vmem>>, vector<32x1280xf32>
    %dot_general3A = arith.constant dense<0.000000e+00> : vector<1280x1xf32>
    %dot_general3A_3 = tpu.matmul %get3A_2, %broadcast_in_dim3A_0, %dot_general3A {dimension_numbers = #tpu.dot_dimension_numbers<[0], [0], [1], [1], [0, 1, 1, 1], [], []>, transpose_lhs_hint = false} : vector<32x1280xf32>, vector<32x1xf32>, vector<1280x1xf32> -> vector<1280x1xf32>
    %add3A = arith.constant 1.000000e+00 : f32
    %add3A_4 = vector.broadcast %add3A : f32 to vector<1280x1xf32>
    %add3A_5 = arith.addf %dot_general3A_3, %add3A_4 : vector<1280x1xf32>
    %rsqrt3A = math.rsqrt %add3A_5 : vector<1280x1xf32>
    %get3A_6 = arith.constant 0 : index
    %get3A_7 = arith.constant 0 : index
    %get3A_8 = vector.load %arg1[%get3A_6, %get3A_7] : memref<1280x128xf32, #tpu.memory_space<vmem>>, vector<1280x128xf32>
    %get3A_9 = arith.constant 0 : index
    %get3A_10 = arith.constant 0 : index
    %get3A_11 = vector.load %arg2[%get3A_9, %get3A_10] : memref<1280x128xf32, #tpu.memory_space<vmem>>, vector<1280x128xf32>
    %mul3A = arith.mulf %get3A_8, %get3A_11 : vector<1280x128xf32>
    %get3A_12 = arith.constant 0 : index
    %get3A_13 = arith.constant 0 : index
    %get3A_14 = vector.load %arg3[%get3A_12, %get3A_13] : memref<128x128xf32, #tpu.memory_space<vmem>>, vector<128x128xf32>
    %dot_general3A_15 = arith.constant dense<0.000000e+00> : vector<1280x128xf32>
    %dot_general3A_16 = tpu.matmul %mul3A, %get3A_14, %dot_general3A_15 {dimension_numbers = #tpu.dot_dimension_numbers<[1], [0], [0], [1], [0, 0, 1, 1], [], []>, transpose_lhs_hint = false} : vector<1280x128xf32>, vector<128x128xf32>, vector<1280x128xf32> -> vector<1280x128xf32>
    %mul3A_17 = vector.broadcast %rsqrt3A : vector<1280x1xf32> to vector<1280x128xf32>
    %mul3A_18 = arith.mulf %mul3A_17, %dot_general3A_16 : vector<1280x128xf32>
    %swap3A = arith.constant 0 : index
    %swap3A_19 = arith.constant 0 : index
    %swap3A_20 = vector.load %arg5[%swap3A, %swap3A_19] : memref<1280x128xf32, #tpu.memory_space<vmem>>, vector<1280x128xf32>
    tpu.vector_store %arg5[%swap3A, %swap3A_19], %mul3A_18 {strides = array<i32>} : memref<1280x128xf32, #tpu.memory_space<vmem>>, vector<1280x128xf32>,
    %swap3A_21 = arith.constant 0 : index
    %swap3A_22 = arith.constant 0 : index
    %swap3A_23 = vector.load %arg6[%swap3A_21, %swap3A_22] : memref<1280x1xf32, #tpu.memory_space<vmem>>, vector<1280x1xf32>
    tpu.vector_store %arg6[%swap3A_21, %swap3A_22], %rsqrt3A {strides = array<i32>} : memref<1280x1xf32, #tpu.memory_space<vmem>>, vector<1280x1xf32>,
    return
  }
  func.func @transform_0(%arg0: i32) -> (i32, i32) {
    %c0_i32 = arith.constant 0 : i32
    %c0_i32_0 = arith.constant 0 : i32
    return %arg0, %c0_i32 : i32, i32
  }
  func.func @transform_1(%arg0: i32) -> (i32, i32) {
    %c0_i32 = arith.constant 0 : i32
    %c0_i32_0 = arith.constant 0 : i32
    return %arg0, %c0_i32 : i32, i32
  }
  func.func @transform_2(%arg0: i32) -> (i32, i32) {
    %c0_i32 = arith.constant 0 : i32
    %c0_i32_0 = arith.constant 0 : i32
    %c0_i32_1 = arith.constant 0 : i32
    return %c0_i32, %c0_i32_0 : i32, i32
  }
  func.func @transform_3(%arg0: i32) -> (i32, i32) {
    %c0_i32 = arith.constant 0 : i32
    %c0_i32_0 = arith.constant 0 : i32
    return %c0_i32, %arg0 : i32, i32
  }
  func.func @transform_4(%arg0: i32) -> (i32, i32) {
    %c0_i32 = arith.constant 0 : i32
    %c0_i32_0 = arith.constant 0 : i32
    return %arg0, %c0_i32 : i32, i32
  }
  func.func @transform_5(%arg0: i32) -> (i32, i32) {
    %c0_i32 = arith.constant 0 : i32
    %c0_i32_0 = arith.constant 0 : i32
    return %arg0, %c0_i32 : i32, i32
  }
}

module attributes {stable_mosaic.version = 14 : i64} {
  func.func @body(%arg0: i32, %arg1: memref<2x1280x128xf32, #tpu.memory_space<vmem>>, %arg2: memref<1280x128xf32, #tpu.memory_space<vmem>>, %arg3: memref<1280x1xf32, #tpu.memory_space<vmem>>, %arg4: memref<1x128xf32, #tpu.memory_space<vmem>>, %arg5: memref<1280x128xf32, #tpu.memory_space<vmem>>) attributes {dimension_semantics = [#tpu.dimension_semantics<arbitrary>], iteration_bounds = array<i64: 8>, scalar_prefetch = 0 : i64, scratch_operands = 0 : i64, tpu.core_type = #tpu.core_type<tc>, window_params = [{transform_indices = @transform_0, window_bounds = array<i64: 2, 1280, 128>}, {transform_indices = @transform_1, window_bounds = array<i64: 1280, 128>}, {transform_indices = @transform_2, window_bounds = array<i64: 1280, 1>}, {pipeline_mode = #tpu.pipeline_mode<synchronous>, transform_indices = @transform_3, window_bounds = array<i64: 1, 128>}, {transform_indices = @transform_4, window_bounds = array<i64: 1280, 128>}]} {
    %get3A = arith.constant 0 : index
    %get3A_0 = arith.constant 0 : index
    %get3A_1 = arith.constant 0 : index
    %get3A_2 = vector.load %arg1[%get3A, %get3A_0, %get3A_1] : memref<2x1280x128xf32, #tpu.memory_space<vmem>>, vector<1x1280x128xf32>
    %get3A_3 = vector.shape_cast %get3A_2 : vector<1x1280x128xf32> to vector<1280x128xf32>
    %get3A_4 = arith.constant 1 : index
    %get3A_5 = arith.constant 0 : index
    %get3A_6 = arith.constant 0 : index
    %get3A_7 = vector.load %arg1[%get3A_4, %get3A_5, %get3A_6] : memref<2x1280x128xf32, #tpu.memory_space<vmem>>, vector<1x1280x128xf32>
    %get3A_8 = vector.shape_cast %get3A_7 : vector<1x1280x128xf32> to vector<1280x128xf32>
    %add3A = arith.addf %get3A_3, %get3A_8 : vector<1280x128xf32>
    %get3A_9 = arith.constant 0 : index
    %get3A_10 = arith.constant 0 : index
    %get3A_11 = vector.load %arg2[%get3A_9, %get3A_10] : memref<1280x128xf32, #tpu.memory_space<vmem>>, vector<1280x128xf32>
    %add3A_12 = arith.addf %add3A, %get3A_11 : vector<1280x128xf32>
    %get3A_13 = arith.constant 0 : index
    %get3A_14 = arith.constant 0 : index
    %get3A_15 = vector.load %arg3[%get3A_13, %get3A_14] : memref<1280x1xf32, #tpu.memory_space<vmem>>, vector<1280x1xf32>
    %mul3A = vector.broadcast %get3A_15 : vector<1280x1xf32> to vector<1280x128xf32>
    %mul3A_16 = arith.mulf %mul3A, %add3A_12 : vector<1280x128xf32>
    %get3A_17 = arith.constant 0 : index
    %get3A_18 = arith.constant 0 : index
    %get3A_19 = vector.load %arg4[%get3A_17, %get3A_18] : memref<1x128xf32, #tpu.memory_space<vmem>>, vector<1x128xf32>
    %add3A_20 = vector.broadcast %get3A_19 : vector<1x128xf32> to vector<1280x128xf32>
    %add3A_21 = arith.addf %mul3A_16, %add3A_20 : vector<1280x128xf32>
    %max3A = arith.constant 0.000000e+00 : f32
    %max3A_22 = vector.broadcast %max3A : f32 to vector<1280x128xf32>
    %max3A_23 = arith.maximumf %add3A_21, %max3A_22 : vector<1280x128xf32>
    %mul3A_24 = arith.mulf %max3A_23, %max3A_23 : vector<1280x128xf32>
    %reduce_sum3A = arith.constant dense<0.000000e+00> : vector<1280xf32>
    %reduce_sum3A_25 = vector.multi_reduction <add>, %mul3A_24, %reduce_sum3A [1] : vector<1280x128xf32> to vector<1280xf32>
    %broadcast_in_dim3A = vector.shape_cast %reduce_sum3A_25 : vector<1280xf32> to vector<1280x1xf32>
    %sqrt3A = math.sqrt %broadcast_in_dim3A : vector<1280x1xf32>
    %max3A_26 = arith.constant 9.99999996E-13 : f32
    %max3A_27 = vector.broadcast %max3A_26 : f32 to vector<1280x1xf32>
    %max3A_28 = arith.maximumf %sqrt3A, %max3A_27 : vector<1280x1xf32>
    %div3A = vector.broadcast %max3A_28 : vector<1280x1xf32> to vector<1280x128xf32>
    %div3A_29 = arith.divf %max3A_23, %div3A : vector<1280x128xf32>
    %swap3A = arith.constant 0 : index
    %swap3A_30 = arith.constant 0 : index
    %swap3A_31 = vector.load %arg5[%swap3A, %swap3A_30] : memref<1280x128xf32, #tpu.memory_space<vmem>>, vector<1280x128xf32>
    tpu.vector_store %arg5[%swap3A, %swap3A_30], %div3A_29 {strides = array<i32>} : memref<1280x128xf32, #tpu.memory_space<vmem>>, vector<1280x128xf32>,
    return
  }
  func.func @transform_0(%arg0: i32) -> (i32, i32, i32) {
    %c0_i32 = arith.constant 0 : i32
    %c0_i32_0 = arith.constant 0 : i32
    %c0_i32_1 = arith.constant 0 : i32
    return %c0_i32, %arg0, %c0_i32_0 : i32, i32, i32
  }
  func.func @transform_1(%arg0: i32) -> (i32, i32) {
    %c0_i32 = arith.constant 0 : i32
    %c0_i32_0 = arith.constant 0 : i32
    return %arg0, %c0_i32 : i32, i32
  }
  func.func @transform_2(%arg0: i32) -> (i32, i32) {
    %c0_i32 = arith.constant 0 : i32
    %c0_i32_0 = arith.constant 0 : i32
    return %arg0, %c0_i32 : i32, i32
  }
  func.func @transform_3(%arg0: i32) -> (i32, i32) {
    %c0_i32 = arith.constant 0 : i32
    %c0_i32_0 = arith.constant 0 : i32
    %c0_i32_1 = arith.constant 0 : i32
    return %c0_i32, %c0_i32_0 : i32, i32
  }
  func.func @transform_4(%arg0: i32) -> (i32, i32) {
    %c0_i32 = arith.constant 0 : i32
    %c0_i32_0 = arith.constant 0 : i32
    return %arg0, %c0_i32 : i32, i32
  }
}

</mosaic_0001>

<sc_bundles>
// kernel: kernel.6.cloned.1.call-start
scs
__scs_entry_jumppad:
0x0: {  	(pc) =	sbr.rel $0x88, $3  }
0x1: {  	(tag) =	ssettag $0x0;
	lr =	simm.s32 $0x1  }
0x2: {  	[smem:$0x3F9D] =	sst lr;
	_ =	strace $0xD0000000  }
0x3: {  	_ = 	snop  }
0x4: {  	_ = 	snop  }
0x5: {  	_ = 	snop  }
0x6: {  	_ = 	snop  }
0x7: {  	_ = 	snop  }
__scs_overlays_trampoline_lowered:
0x8: {  	[smem:$0x3FAC] =	sst s0  }
0x9: {  	[smem:$0x3FAD] =	sst s1  }
0xa: {  	[smem:$0x3FAE] =	sst s2  }
0xb: {  	[smem:$0x3FAF] =	sst s3  }
0xc: {  	[smem:$0x3FB0] =	sst s4  }
0xd: {  	[smem:$0x3FB1] =	sst s5  }
0xe: {  	[smem:$0x3FB2] =	sst s6  }
0xf: {  	[smem:$0x3FB3] =	sst s7  }
0x10: {  	[smem:$0x3FB4] =	sst s8  }
0x11: {  	[smem:$0x3FB5] =	sst s9;
	s0 =	simm.s32 @!p0 $0x0  }
0x12: {  	s1 =	sld [smem:$0x3F9B];
	s0 =	simm.s32 @p0 $0x1  }
0x13: {  	[smem:$0x3FB6] =	sst s0;
	s0 =	simm.s32 @!p1 $0x0  }
0x14: {  	s2 =	sld [smem:$0x3F9A];
	s0 =	simm.s32 @p1 $0x1  }
0x15: {  	[smem:$0x3FB7] =	sst s0;
	s0 =	simm.s32 @!p2 $0x0  }
0x16: {  	s3 =	sld [smem:$0x3FDB];
	s0 =	simm.s32 @p2 $0x1  }
0x17: {  	s4 =	simm.s32 $0x1BF5;
	[smem:$0x3FB9] =	sst s0  }
0x18: {  	s0 =	sld [smem:$0x3F9C];
	_ =	swait.ge [sflag:s4], $0x0  }
0x19: {  	s7 =	sld [smem:$0x3F9D]  }
0x1a: {  	s8 =	sadd.s32 $0xFFFFE003, lr  }
0x1b: {  	s9 =	sadd.s32 $0xFFFFFEF7, lr;
	s5 =	simm.s32 $0xFFFFFFFF;
	p2 =	slt.u32 s8, $0xFFFFF086  }
0x1c: {  	p1 =	slt.u32 s9, $0xF7A;
	s5 =	simm.s32 @!p2 $0x0  }
0x1d: {  	s5 =	simm.s32 @p1 $0x1;
	p0 =	seq.s32 s7, s2  }
0x1e: {  	s7 =	smul.u32 @!p0 $0xF7A, s2;
	p2 =	seq.s32 @!p0 s5, $0x0  }
0x1f: {  	s9 =	smul.u32 $0xF7A, s1;
	s8 =	simm.s32 @!p0 $0x1BF5;
	p2 =	por !p2, p0  }
0x20: {  	[sflag:s8] =	ssyncset.s32 @!p0 $0xFFFFF086;
	s6 =	sadd.s32 @!p0 s3, s7;
	s7 =	simm.s32 @!p0 $0x108  }
0x21: {  	s3 =	sadd.s32 s3, s9;
	s6 =	sadd.s32 @!p0 $0x88, s6;
	s7 =	simm.s32 @p2 $0x1082  }
0x22: {  	[simem:s7], [sflag:s8] =	dma.local @!p0 [hbm:s6], $0xF7A  }
0x23: {  	s9 =	sor.u32 $0xD0000000, s2;
	s6 =	simm.s32 $0x108;
	_ =	swait.ge @!p0 [sflag:s8], $0x0  }
0x24: {  	s3 =	sadd.s32 $0x88, s3;
	s6 =	simm.s32 @!p1 $0x1082;
	[sflag:s4] =	ssyncset.s32 $0xFFFFF086  }
0x25: {  	[simem:s6], [sflag:s4] =	dma.local [hbm:s3], $0xF7A  }
0x26: {  	[smem:$0x3F9D] =	sst s1;
	(tag) =	ssettag s2;
	_ =	strace s9  }
0x27: {  	s1 =	sld [smem:$0x3FAD]  }
0x28: {  	s2 =	sld [smem:$0x3FAE]  }
0x29: {  	s4 =	sld [smem:$0x3FB0]  }
0x2a: {  	p0 =	seq.s32 s5, $0x0;
	s5 =	sld [smem:$0x3FB1]  }
0x2b: {  	s6 =	sld [smem:$0x3FB2]  }
0x2c: {  	s7 =	sld [smem:$0x3FB3]  }
0x2d: {  	s3 =	simm.s32 $0x108;
	s8 =	sld [smem:$0x3FB4]  }
0x2e: {  	s3 =	simm.s32 @!p0 $0x1082;
	s9 =	sld [smem:$0x3FB5]  }
0x2f: {  	lr =	sadd.s32 s0, s3;
	s0 =	sld [smem:$0x3FAC]  }
0x30: {  	s3 =	sld [smem:$0x3FAF]  }
0x31: {  	[smem:$0x3FB8] =	sst s10  }
0x32: {  	s10 =	sld [smem:$0x3FB6];
	_ =	sdelay $0x3  }
0x33: {  	p0 =	seq.s32 s10, $0x1;
	s10 =	sld [smem:$0x3FB8];
	_ =	sdelay $0x3  }
0x34: {  	[smem:$0x3FB8] =	sst s10  }
0x35: {  	s10 =	sld [smem:$0x3FB7];
	_ =	sdelay $0x3  }
0x36: {  	p1 =	seq.s32 s10, $0x1;
	s10 =	sld [smem:$0x3FB8];
	_ =	sdelay $0x3  }
0x37: {  	[smem:$0x3FB8] =	sst s10  }
0x38: {  	s10 =	sld [smem:$0x3FB9]  }
0x39: {  	_ = 	snop;
	(pc) =	sbr.ind lr, $3  }
0x3a: {  	_ = 	snop  }
0x3b: {  	_ = 	snop  }
0x3c: {  	p2 =	seq.s32 s10, $0x1;
	s10 =	sld [smem:$0x3FB8]  }
0x3d: {  	_ =	shalt  }
0x3e: {  	_ =	shalt  }
0x3f: {  	_ =	shalt  }
0x40: {  	_ =	shalt  }
0x41: {  	_ =	shalt  }
0x42: {  	_ =	shalt  }
0x43: {  	_ =	shalt  }
0x44: {  	_ =	shalt  }
0x45: {  	_ =	shalt  }
0x46: {  	_ =	shalt  }
0x47: {  	_ =	shalt  }
0x48: {  	_ =	shalt  }
0x49: {  	_ =	shalt  }
0x4a: {  	_ =	shalt  }
0x4b: {  	_ =	shalt  }
0x4c: {  	_ =	shalt  }
0x4d: {  	_ =	shalt  }
0x4e: {  	_ =	shalt  }
0x4f: {  	_ =	shalt  }
0x50: {  	_ =	shalt  }
0x51: {  	_ =	shalt  }
0x52: {  	_ =	shalt  }
0x53: {  	_ =	shalt  }
0x54: {  	_ =	shalt  }
0x55: {  	_ =	shalt  }
0x56: {  	_ =	shalt  }
0x57: {  	_ =	shalt  }
0x58: {  	_ =	shalt  }
0x59: {  	_ =	shalt  }
0x5a: {  	_ =	shalt  }
0x5b: {  	_ =	shalt  }
0x5c: {  	_ =	shalt  }
0x5d: {  	_ =	shalt  }
0x5e: {  	_ =	shalt  }
0x5f: {  	_ =	shalt  }
0x60: {  	_ =	shalt  }
0x61: {  	_ =	shalt  }
0x62: {  	_ =	shalt  }
0x63: {  	_ =	shalt  }
0x64: {  	_ =	shalt  }
0x65: {  	_ =	shalt  }
0x66: {  	_ =	shalt  }
0x67: {  	_ =	shalt  }
0x68: {  	_ =	shalt  }
0x69: {  	_ =	shalt  }
0x6a: {  	_ =	shalt  }
0x6b: {  	_ =	shalt  }
0x6c: {  	_ =	shalt  }
0x6d: {  	_ =	shalt  }
0x6e: {  	_ =	shalt  }
0x6f: {  	_ =	shalt  }
0x70: {  	_ =	shalt  }
0x71: {  	_ =	shalt  }
0x72: {  	_ =	shalt  }
0x73: {  	_ =	shalt  }
0x74: {  	_ =	shalt  }
0x75: {  	_ =	shalt  }
0x76: {  	_ =	shalt  }
0x77: {  	_ =	shalt  }
0x78: {  	_ =	shalt  }
0x79: {  	_ =	shalt  }
0x7a: {  	_ =	shalt  }
0x7b: {  	_ =	shalt  }
0x7c: {  	_ =	shalt  }
0x7d: {  	_ =	shalt  }
0x7e: {  	_ =	shalt  }
0x7f: {  	_ =	shalt  }
0x80: {  	_ =	shalt  }
0x81: {  	_ =	shalt  }
0x82: {  	_ =	shalt  }
0x83: {  	_ =	shalt  }
0x84: {  	_ =	shalt  }
0x85: {  	_ =	shalt  }
0x86: {  	_ =	shalt  }
0x87: {  	_ =	shalt  }
.Lfunc_end0:
.L_simem_size_0:
called_computation_lowered:
.L_overlay_start_0:
0x88: {  	s2 =	sld [smem:$0x3FD9]  }
0x89: {  	s3 =	sld [smem:$0x3FFE];
	_ =	sdelay $0x1  }
0x8a: {  	s1 =	srdreg.scid  }
0x8b: {  	s0 =	sand.u32 $0x1, s1  }
0x8c: {  	s16 =	sshll.u32 s0, $0xA;
	s2 =	sadd.s32 s3, s2  }
0x8d: {  	s2 =	sadd.s32 s2, s16  }
0x8e: {  	[smem:$0x3FC4] =	sst s2  }
0x8f: {  	_ = 	snop  }
0x90: {  	(tm) =	ssettm $0x1  }
0x91: {  	s17 =	sld [smem:$0x3FFB];
	_ =	sdelay $0x3  }
0x92: {  	_ =	strace s17  }
0x93: {  	s2 =	sld [smem:$0x3FFC];
	_ =	sdelay $0x3  }
0x94: {  	_ =	strace s2  }
0x95: {  	s2 =	sld [smem:$0x3FFD];
	_ =	sdelay $0x3  }
0x96: {  	_ =	strace s2  }
0x97: {  	_ =	strace $0x8FFFFFFF  }
0x98: {  	s18 =	sld [smem:$0x3FDB];
	_ =	sdelay $0x1  }
0x99: {  	s19 =	simm.s32 $_scs_section_size  }
0x9a: {  	s4 =	simm.s32 $_size__tile_overlayer_lowered;
	s5 =	simm.s32 $_tile_overlayer_lowered  }
0x9b: {  	s22 =	simm.s32 $0x1BFF;
	s21 =	sshll.u32 s5, $0x1;
	s2 =	sadd.s32 s19, s18  }
0x9c: {  	s6 =	simm.s32 $0x0;
	s20 =	sshll.u32 s4, $0x1;
	s4 =	sadd.s32 s21, s2  }
0x9d: {  	[timem:s6], [sflag:s22] =	dma.local [hbm:s4], s20  }
0x9e: {  	_ =	swait.ge [sflag:s22], s20  }
0x9f: {  	s3 =	ssub.s32 $0x0, s20;
	[sflag:s22] =	ssyncset.done $0x0  }
0xa0: {  	[sflag:s22] =	ssyncadd.s32 s3;
	_ =	sdelay $0x1  }
0xa1: {  	s23 =	simm.s32 $0x1B8B  }
0xa2: {  	_ =	swait.ge [sflag:s23], $0x1  }
0xa3: {  	[sflag:s23] =	ssyncset.done $0x0  }
0xa4: {  	s25 =	simm.s32 $0x1B8E;
	s24 =	sld [smem:$0x3FFE];
	[sflag:s23] =	ssyncadd.s32 $0xFFFFFFFF  }
0xa5: {  	s26 =	simm.s32 $execute0_lowered;
	[smem:$0x3FD2] =	sst s25  }
0xa6: {  	s4 =	sshll.u32 s26, $0x1;
	_ =	strace $0x80000046;
	[dreg:$0x1] =	wrdreg $0xFFFFFFFF  }
0xa7: {  	s28 =	simm.s32 $_size_execute0_lowered;
	s2 =	sadd.s32 s2, s4;
	[dreg:$0x0] =	wrdreg $0x0  }
0xa8: {  	s4 =	sshll.u32 s28, $0x1;
	[dreg:$0x2] =	wrdreg s2  }
0xa9: {  	[dreg:$0x3] =	wrdreg s4  }
0xaa: {  	[dreg:$0x4] =	wrdreg $0xC0  }
0xab: {  	_ =	task [dreg:s6], $0x5FFFF  }
0xac: {  	[dreg:$0x1] =	wrdreg $0xFFFFFFFF  }
0xad: {  	[dreg:$0x0] =	wrdreg $0x60  }
0xae: {  	[dreg:$0x2] =	wrdreg s24  }
0xaf: {  	[dreg:$0x3] =	wrdreg $0x9  }
0xb0: {  	_ =	task.clear_ibuf [dreg:s6], $0x4FFFF;
	_ =	strace $0x90000046  }
0xb1: {  	s29 =	simm.s32 $0x9;
	_ =	strace $0x80000048  }
0xb2: {  	_ =	swait.ge [sflag:s29], $0x1  }
0xb3: {  	[sflag:s29] =	ssyncadd.s32 $0xFFFFFFFF  }
0xb4: {  	_ =	strace $0x90000048  }
0xb5: {  	_ =	sfence  }
0xb6: {  	s30 =	sld [smem:$0x0];
	_ =	sdelay $0x2  }
0xb7: {  	s31 =	sshll.u32 s1, $0xD;
	s1 =	sshrl.u32 s1, $0x2  }
0xb8: {  	s3 =	sand.u32 $0x4000, s31;
	s1 =	sadd.s32 s1, s30  }
0xb9: {  	s0 =	sor.u32 s3, s0;
	s1 =	sshll.u32 s1, $0x11  }
0xba: {  	s0 =	sor.u32 s1, s0  }
0xbb: {  	s0 =	sadd.s32 $0x8F2B, s0  }
0xbc: {  	[sflag:s0] =	ssyncadd.remote.s32 $0x1  }
0xbd: {  	_ =	sfence.sel $0xFFFF  }
0xbe: {  	[dreg:$0x0] =	wrdreg $0xFFFFFFFF;
	(pc) =	sbr.abs _section_cstart, $3  }
0xbf: {  	[dreg:$0x1] =	wrdreg $0xFFFFFFFF  }
0xc0: {  	_ =	task.clear_ibuf [dreg:s6], $0x2FFFF;
	_ =	strace $0x9FFFFFFF  }
0xc1: {  	(tm) =	ssettm $0x7FFFFFFF  }
tec
execute0_lowered:
.L_overlay_start_1:
0x0: {  	(tag) =	ssettag $0x1  }
0x1: {  	s0 =	srdreg.scid  }
0x2: {  	s3 =	sand.u32 $0x1, s0  }
0x3: {  	s4 =	rddreg [dreg:$0x0];
	s0 =	stileid.u32;
	s1 =	sshll.u32 s3, $0x4  }
0x4: {  	s2 =	simm.s32 $0x0;
	s8 =	simm.s32 $0x80;
	s5 =	sor.u32 s0, s1  }
0x5: {  	s9 =	simm.s32 $0x400;
	[smem:$0x7FF] =	sst s2;
	s6 =	sshrl.u32 s5, $0x3  }
0x6: {  	s7 =	sshll.u32 s0, $0x7;
	s3 =	ssub.s32 $0x2, s3;
	s6 =	smul.u32 $0x14000, s6  }
0x7: {  	s1 =	rddreg [dreg:$0x1];
	s7 =	sand.u32 $0x380, s7;
	s5 =	smul.u32 $0x500, s5  }
0x8: {  	_ =	strace $0x80000047;
	s30 =	sshrl.u32 s3, $0x1;
	s6 =	sor.u32 s7, s6  }
0x9: {  	s31 =	ssub.s32 s3, s30;
	s5 =	sadd.s32 s5, s4;
	s6 =	sshrl.u32 s6, $0x3  }
0xa: {  	s3 =	sadd.s32 $0x1800, s5;
	s5 =	smax.u32 s31, $0x1;
	s4 =	sadd.s32 s6, s4  }
0xb: {  	v0 =	vimm.f32 $0.0e+00;
	v1 =	vimm.f32 $1.000000000e+00;
	s7 =	simm.s32 $0x2800;
	s6 =	simm.s32 $0x1;
	s4 =	sadd.s32 $0xB800, s4  }
.LBB2_1:
0xc: {  	s10 =	simm.s32 $0x40;
	s11 =	simm.s32 $0x0  }
.LBB2_2:
0xd: {  	p0 =	sne.s32 s10, $0x9FC0;
	[tilespmem:s11+$0x2800] =	vst v0;
	s11 =	smov.u32 s10;
	s10 =	sadd.s32 $0x40, s10  }
.Ltmp0:
0xe: {  	(pc) =	sbr.rel @p0 .LBB2_2-.Ltmp0, $2  }
0xf: {  	_ =	sdelay $0x2  }
0x10: {  	s11 =	sshra.s32 s11, $0x2  }
0x11: {  	[tilespmem:s11+$0x2800] =	vst v0;
	s10 =	simm.s32 $0x0  }
0x12: {  	[tilespmem:s10], [sflag:$0x1] =	stream.linear.gather [hbm4b:s3+s10], $0x2800, $0x38;
	[tilespmem:$0x5000] =	vst v63  }
0x13: {  	s31 =	sand.u32 $0xFE00, s10;
	_ =	swait.ge [sflag:s6], $0x2800  }
0x14: {  	s10 =	sand.u32 $0x70, s10;
	s11 =	sshrl.u32 s31, $0x2;
	[sflag:s6] =	ssyncset.done $0x0  }
0x15: {  	s10 =	sor.u32 s10, s11;
	[sflag:s6] =	ssyncadd.s32 $0xFFFFD800  }
0x16: {  	v2 =	vld [tilespmem:s10+$0x0];
	_ =	sdelay $0x4  }
0x17: {  	s12 =	simm.s32 $0x40  }
0x18: {  	s12 =	sand.u32 $0xFE00, s12;
	s11 =	simm.s32 $0x80;
	s10 =	simm.s32 $0x10  }
.LBB2_4:
0x19: {  	p0 =	sne.s32 s11, $0x9FC0;
	s13 =	sand.u32 $0x70, s10;
	s12 =	sshrl.u32 s12, $0x2  }
0x1a: {  	s12 =	sor.u32 s13, s12;
	[tilespmem:v2+s7+$0x0] =	vst.idx.add.f32.msk $0xffff, v1  }
0x1b: {  	v2 =	vld [tilespmem:s12+$0x0];
	_ =	sdelay $0x1  }
.Ltmp1:
0x1c: {  	(pc) =	sbr.rel @p0 .LBB2_4-.Ltmp1, $2  }
0x1d: {  	_ =	sdelay $0x2  }
0x1e: {  	s10 =	sadd.s32 $0x10, s10;
	s12 =	sand.u32 $0xFE00, s11;
	s11 =	sadd.s32 $0x40, s11  }
0x1f: {  	_ =	sdelay $0x2  }
0x20: {  	s10 =	sand.u32 $0x70, s10;
	s11 =	sshrl.u32 s12, $0x2  }
0x21: {  	[tilespmem:v2+s7+$0x0] =	vst.idx.add.f32.msk $0xffff, v1;
	s10 =	sor.u32 s10, s11  }
0x22: {  	v2 =	vld [tilespmem:s10+$0x0];
	_ =	sdelay $0x5  }
0x23: {  	s2 =	sadd.s32 $0x1, s2  }
0x24: {  	p0 =	sne.s32 s2, s5  }
.Ltmp2:
0x25: {  	[tilespmem:v2+s7+$0x0] =	vst.idx.add.f32.msk $0xffff, v1;
	(pc) =	sbr.rel @p0 .LBB2_1-.Ltmp2, $4  }
0x26: {  	[hbm4b:s4+s8] =	stream.strided.scatter [tilespmem:s7], [sflag:$0x1], $0x2800, s9, s8, $0x38;
	[tilespmem:$0x5000] =	vst v63  }
0x27: {  	_ =	swait.ge [sflag:s6], $0x2800  }
0x28: {  	[sflag:s6] =	ssyncset.done $0x0  }
0x29: {  	[sflag:s6] =	ssyncadd.s32 $0xFFFFD800  }
0x2a: {  	_ =	sfence.sel $0x180000  }
0x2b: {  	[bflag:$0x0] =	sbarrier.arrive $0xFFFF  }
0x2c: {  	p0 =	sne.s32 s0, $0x0;
	_ =	strace $0x90000047  }
0x2d: {  	s0 =	sadd.s32 @!p0 $0x100000, s1;
	[bflag:$0x2] =	sbarrier.arrive $0xFFFF  }
0x2e: {  	[sflag:s0] =	ssyncadd.tile.s32 @!p0 $0x1;
	_ =	shalt  }
.Lfunc_end2:
_tile_overlayer_lowered:
.L_overlay_start_2:
0x2f: {  	(tag) =	ssettag $0x2  }
0x30: {  	s0 =	rddreg [dreg:$0x0];
	s2 =	stileid.u32  }
0x31: {  	s1 =	rddreg [dreg:$0x1];
	p0 =	sne.s32 s2, $0x0  }
0x32: {  	s3 =	rddreg [dreg:$0x2];
	[bflag:$0x3] =	sbarrier.arrive $0xFFFF;
	s2 =	simm.s32 @!p0 $0x1C01  }
0x33: {  	[timem:s3], [sflag:s2] =	dma.local @!p0 [hbm:s0], s1  }
0x34: {  	s0 =	simm.s32 @!p0 $0x1  }
0x35: {  	_ =	swait.ge @!p0 [sflag:s0], s1  }
0x36: {  	s1 =	ssub.s32 @!p0 $0x0, s1;
	[sflag:s0] =	ssyncset.done @!p0 $0x0  }
0x37: {  	[sflag:s0] =	ssyncadd.s32 @!p0 s1  }
0x38: {  	[bflag:$0x3] =	sbarrier.arrive $0xFFFF  }
0x39: {  	_ =	shalt  }

// kernel: kernel.9.cloned.1.call-start
scs
__scs_entry_jumppad:
0x0: {  	(pc) =	sbr.rel $0x88, $3  }
0x1: {  	(tag) =	ssettag $0x0;
	lr =	simm.s32 $0x1  }
0x2: {  	[smem:$0x3F9D] =	sst lr;
	_ =	strace $0xD0000000  }
0x3: {  	_ = 	snop  }
0x4: {  	_ = 	snop  }
0x5: {  	_ = 	snop  }
0x6: {  	_ = 	snop  }
0x7: {  	_ = 	snop  }
__scs_overlays_trampoline_lowered:
0x8: {  	[smem:$0x3FAC] =	sst s0  }
0x9: {  	[smem:$0x3FAD] =	sst s1  }
0xa: {  	[smem:$0x3FAE] =	sst s2  }
0xb: {  	[smem:$0x3FAF] =	sst s3  }
0xc: {  	[smem:$0x3FB0] =	sst s4  }
0xd: {  	[smem:$0x3FB1] =	sst s5  }
0xe: {  	[smem:$0x3FB2] =	sst s6  }
0xf: {  	[smem:$0x3FB3] =	sst s7  }
0x10: {  	[smem:$0x3FB4] =	sst s8  }
0x11: {  	[smem:$0x3FB5] =	sst s9;
	s0 =	simm.s32 @!p0 $0x0  }
0x12: {  	s1 =	sld [smem:$0x3F9B];
	s0 =	simm.s32 @p0 $0x1  }
0x13: {  	[smem:$0x3FB6] =	sst s0;
	s0 =	simm.s32 @!p1 $0x0  }
0x14: {  	s2 =	sld [smem:$0x3F9A];
	s0 =	simm.s32 @p1 $0x1  }
0x15: {  	[smem:$0x3FB7] =	sst s0;
	s0 =	simm.s32 @!p2 $0x0  }
0x16: {  	s3 =	sld [smem:$0x3FDB];
	s0 =	simm.s32 @p2 $0x1  }
0x17: {  	s4 =	simm.s32 $0x1BF5;
	[smem:$0x3FB9] =	sst s0  }
0x18: {  	s0 =	sld [smem:$0x3F9C];
	_ =	swait.ge [sflag:s4], $0x0  }
0x19: {  	s7 =	sld [smem:$0x3F9D]  }
0x1a: {  	s8 =	sadd.s32 $0xFFFFE003, lr  }
0x1b: {  	s9 =	sadd.s32 $0xFFFFFEF7, lr;
	s5 =	simm.s32 $0xFFFFFFFF;
	p2 =	slt.u32 s8, $0xFFFFF086  }
0x1c: {  	p1 =	slt.u32 s9, $0xF7A;
	s5 =	simm.s32 @!p2 $0x0  }
0x1d: {  	s5 =	simm.s32 @p1 $0x1;
	p0 =	seq.s32 s7, s2  }
0x1e: {  	s7 =	smul.u32 @!p0 $0xF7A, s2;
	p2 =	seq.s32 @!p0 s5, $0x0  }
0x1f: {  	s9 =	smul.u32 $0xF7A, s1;
	s8 =	simm.s32 @!p0 $0x1BF5;
	p2 =	por !p2, p0  }
0x20: {  	[sflag:s8] =	ssyncset.s32 @!p0 $0xFFFFF086;
	s6 =	sadd.s32 @!p0 s3, s7;
	s7 =	simm.s32 @!p0 $0x108  }
0x21: {  	s3 =	sadd.s32 s3, s9;
	s6 =	sadd.s32 @!p0 $0x88, s6;
	s7 =	simm.s32 @p2 $0x1082  }
0x22: {  	[simem:s7], [sflag:s8] =	dma.local @!p0 [hbm:s6], $0xF7A  }
0x23: {  	s9 =	sor.u32 $0xD0000000, s2;
	s6 =	simm.s32 $0x108;
	_ =	swait.ge @!p0 [sflag:s8], $0x0  }
0x24: {  	s3 =	sadd.s32 $0x88, s3;
	s6 =	simm.s32 @!p1 $0x1082;
	[sflag:s4] =	ssyncset.s32 $0xFFFFF086  }
0x25: {  	[simem:s6], [sflag:s4] =	dma.local [hbm:s3], $0xF7A  }
0x26: {  	[smem:$0x3F9D] =	sst s1;
	(tag) =	ssettag s2;
	_ =	strace s9  }
0x27: {  	s1 =	sld [smem:$0x3FAD]  }
0x28: {  	s2 =	sld [smem:$0x3FAE]  }
0x29: {  	s4 =	sld [smem:$0x3FB0]  }
0x2a: {  	p0 =	seq.s32 s5, $0x0;
	s5 =	sld [smem:$0x3FB1]  }
0x2b: {  	s6 =	sld [smem:$0x3FB2]  }
0x2c: {  	s7 =	sld [smem:$0x3FB3]  }
0x2d: {  	s3 =	simm.s32 $0x108;
	s8 =	sld [smem:$0x3FB4]  }
0x2e: {  	s3 =	simm.s32 @!p0 $0x1082;
	s9 =	sld [smem:$0x3FB5]  }
0x2f: {  	lr =	sadd.s32 s0, s3;
	s0 =	sld [smem:$0x3FAC]  }
0x30: {  	s3 =	sld [smem:$0x3FAF]  }
0x31: {  	[smem:$0x3FB8] =	sst s10  }
0x32: {  	s10 =	sld [smem:$0x3FB6];
	_ =	sdelay $0x3  }
0x33: {  	p0 =	seq.s32 s10, $0x1;
	s10 =	sld [smem:$0x3FB8];
	_ =	sdelay $0x3  }
0x34: {  	[smem:$0x3FB8] =	sst s10  }
0x35: {  	s10 =	sld [smem:$0x3FB7];
	_ =	sdelay $0x3  }
0x36: {  	p1 =	seq.s32 s10, $0x1;
	s10 =	sld [smem:$0x3FB8];
	_ =	sdelay $0x3  }
0x37: {  	[smem:$0x3FB8] =	sst s10  }
0x38: {  	s10 =	sld [smem:$0x3FB9]  }
0x39: {  	_ = 	snop;
	(pc) =	sbr.ind lr, $3  }
0x3a: {  	_ = 	snop  }
0x3b: {  	_ = 	snop  }
0x3c: {  	p2 =	seq.s32 s10, $0x1;
	s10 =	sld [smem:$0x3FB8]  }
0x3d: {  	_ =	shalt  }
0x3e: {  	_ =	shalt  }
0x3f: {  	_ =	shalt  }
0x40: {  	_ =	shalt  }
0x41: {  	_ =	shalt  }
0x42: {  	_ =	shalt  }
0x43: {  	_ =	shalt  }
0x44: {  	_ =	shalt  }
0x45: {  	_ =	shalt  }
0x46: {  	_ =	shalt  }
0x47: {  	_ =	shalt  }
0x48: {  	_ =	shalt  }
0x49: {  	_ =	shalt  }
0x4a: {  	_ =	shalt  }
0x4b: {  	_ =	shalt  }
0x4c: {  	_ =	shalt  }
0x4d: {  	_ =	shalt  }
0x4e: {  	_ =	shalt  }
0x4f: {  	_ =	shalt  }
0x50: {  	_ =	shalt  }
0x51: {  	_ =	shalt  }
0x52: {  	_ =	shalt  }
0x53: {  	_ =	shalt  }
0x54: {  	_ =	shalt  }
0x55: {  	_ =	shalt  }
0x56: {  	_ =	shalt  }
0x57: {  	_ =	shalt  }
0x58: {  	_ =	shalt  }
0x59: {  	_ =	shalt  }
0x5a: {  	_ =	shalt  }
0x5b: {  	_ =	shalt  }
0x5c: {  	_ =	shalt  }
0x5d: {  	_ =	shalt  }
0x5e: {  	_ =	shalt  }
0x5f: {  	_ =	shalt  }
0x60: {  	_ =	shalt  }
0x61: {  	_ =	shalt  }
0x62: {  	_ =	shalt  }
0x63: {  	_ =	shalt  }
0x64: {  	_ =	shalt  }
0x65: {  	_ =	shalt  }
0x66: {  	_ =	shalt  }
0x67: {  	_ =	shalt  }
0x68: {  	_ =	shalt  }
0x69: {  	_ =	shalt  }
0x6a: {  	_ =	shalt  }
0x6b: {  	_ =	shalt  }
0x6c: {  	_ =	shalt  }
0x6d: {  	_ =	shalt  }
0x6e: {  	_ =	shalt  }
0x6f: {  	_ =	shalt  }
0x70: {  	_ =	shalt  }
0x71: {  	_ =	shalt  }
0x72: {  	_ =	shalt  }
0x73: {  	_ =	shalt  }
0x74: {  	_ =	shalt  }
0x75: {  	_ =	shalt  }
0x76: {  	_ =	shalt  }
0x77: {  	_ =	shalt  }
0x78: {  	_ =	shalt  }
0x79: {  	_ =	shalt  }
0x7a: {  	_ =	shalt  }
0x7b: {  	_ =	shalt  }
0x7c: {  	_ =	shalt  }
0x7d: {  	_ =	shalt  }
0x7e: {  	_ =	shalt  }
0x7f: {  	_ =	shalt  }
0x80: {  	_ =	shalt  }
0x81: {  	_ =	shalt  }
0x82: {  	_ =	shalt  }
0x83: {  	_ =	shalt  }
0x84: {  	_ =	shalt  }
0x85: {  	_ =	shalt  }
0x86: {  	_ =	shalt  }
0x87: {  	_ =	shalt  }
.Lfunc_end0:
.L_simem_size_0:
called_computation.1_lowered:
.L_overlay_start_0:
0x88: {  	s2 =	sld [smem:$0x3FD9]  }
0x89: {  	s3 =	sld [smem:$0x3FFE];
	_ =	sdelay $0x1  }
0x8a: {  	s1 =	srdreg.scid  }
0x8b: {  	s0 =	sand.u32 $0x1, s1  }
0x8c: {  	s17 =	sshll.u32 s0, $0xA;
	s2 =	sadd.s32 s3, s2  }
0x8d: {  	s2 =	sadd.s32 s2, s17  }
0x8e: {  	[smem:$0x3FC4] =	sst s2  }
0x8f: {  	_ = 	snop  }
0x90: {  	s2 =	sld [smem:$0x3FD0];
	(tm) =	ssettm $0x1  }
0x91: {  	s18 =	sld [smem:$0x3FFB];
	_ =	sdelay $0x3  }
0x92: {  	_ =	strace s18  }
0x93: {  	s3 =	sld [smem:$0x3FFC];
	_ =	sdelay $0x3  }
0x94: {  	_ =	strace s3  }
0x95: {  	s3 =	sld [smem:$0x3FFD];
	_ =	sdelay $0x3  }
0x96: {  	_ =	strace s3  }
0x97: {  	_ =	strace $0x8FFFFFFF  }
0x98: {  	s19 =	sld [smem:$0x3FDB];
	_ =	sdelay $0x1  }
0x99: {  	s4 =	simm.s32 $_scs_section_size  }
0x9a: {  	s5 =	simm.s32 $_size__tile_overlayer_lowered;
	s6 =	simm.s32 $_tile_overlayer_lowered  }
0x9b: {  	s22 =	simm.s32 $0x1BFF;
	s21 =	sshll.u32 s6, $0x1;
	s3 =	sadd.s32 s4, s19  }
0x9c: {  	s7 =	simm.s32 $0x0;
	s20 =	sshll.u32 s5, $0x1;
	s5 =	sadd.s32 s21, s3  }
0x9d: {  	[timem:s7], [sflag:s22] =	dma.local [hbm:s5], s20  }
0x9e: {  	_ =	swait.ge [sflag:s22], s20  }
0x9f: {  	s4 =	ssub.s32 $0x0, s20;
	[sflag:s22] =	ssyncset.done $0x0  }
0xa0: {  	[sflag:s22] =	ssyncadd.s32 s4;
	_ =	sdelay $0x1  }
0xa1: {  	s23 =	simm.s32 $0x1B8B  }
0xa2: {  	_ =	swait.ge [sflag:s23], $0x1  }
0xa3: {  	[sflag:s23] =	ssyncset.done $0x0  }
0xa4: {  	s25 =	simm.s32 $0x1B8E;
	s24 =	sld [smem:$0x3FFE];
	[sflag:s23] =	ssyncadd.s32 $0xFFFFFFFF  }
0xa5: {  	s26 =	simm.s32 $execute0_lowered;
	[smem:$0x3FD2] =	sst s25  }
0xa6: {  	s5 =	sshll.u32 s26, $0x1;
	_ =	strace $0x80000049;
	[dreg:$0x1] =	wrdreg $0xFFFFFFFF  }
0xa7: {  	s28 =	simm.s32 $_size_execute0_lowered;
	s3 =	sadd.s32 s3, s5;
	[dreg:$0x0] =	wrdreg $0x0  }
0xa8: {  	s5 =	sshll.u32 s28, $0x1;
	[dreg:$0x2] =	wrdreg s3  }
0xa9: {  	[dreg:$0x3] =	wrdreg s5  }
0xaa: {  	[dreg:$0x4] =	wrdreg $0xC0  }
0xab: {  	_ =	task [dreg:s7], $0x5FFFF  }
0xac: {  	[dreg:$0x1] =	wrdreg $0xFFFFFFFF  }
0xad: {  	[dreg:$0x0] =	wrdreg $0x60  }
0xae: {  	[dreg:$0x2] =	wrdreg s24  }
0xaf: {  	[dreg:$0x3] =	wrdreg s2  }
0xb0: {  	[dreg:$0x4] =	wrdreg $0xA0000  }
0xb1: {  	[dreg:$0x5] =	wrdreg $0x9  }
0xb2: {  	_ =	task.clear_ibuf [dreg:s7], $0x6FFFF;
	_ =	strace $0x90000049  }
0xb3: {  	s29 =	simm.s32 $0x9;
	_ =	strace $0x8000004B  }
0xb4: {  	_ =	swait.ge [sflag:s29], $0x1  }
0xb5: {  	[sflag:s29] =	ssyncadd.s32 $0xFFFFFFFF  }
0xb6: {  	_ =	strace $0x9000004B  }
0xb7: {  	_ =	sfence  }
0xb8: {  	s30 =	sld [smem:$0x0];
	_ =	sdelay $0x2  }
0xb9: {  	s31 =	sshll.u32 s1, $0xD;
	s1 =	sshrl.u32 s1, $0x2  }
0xba: {  	s3 =	sand.u32 $0x4000, s31;
	s1 =	sadd.s32 s1, s30  }
0xbb: {  	s0 =	sor.u32 s3, s0;
	s1 =	sshll.u32 s1, $0x11  }
0xbc: {  	s0 =	sor.u32 s1, s0  }
0xbd: {  	s0 =	sadd.s32 $0x8F2B, s0  }
0xbe: {  	[sflag:s0] =	ssyncadd.remote.s32 $0x1  }
0xbf: {  	_ =	sfence.sel $0xFFFF  }
0xc0: {  	[dreg:$0x0] =	wrdreg $0xFFFFFFFF;
	(pc) =	sbr.abs _section_cstart, $3  }
0xc1: {  	[dreg:$0x1] =	wrdreg $0xFFFFFFFF  }
0xc2: {  	_ =	task.clear_ibuf [dreg:s7], $0x2FFFF;
	_ =	strace $0x9FFFFFFF  }
0xc3: {  	(tm) =	ssettm $0x7FFFFFFF  }
tec
execute0_lowered:
.L_overlay_start_1:
0x0: {  	(tag) =	ssettag $0x1  }
0x1: {  	s0 =	rddreg [dreg:$0x0]  }
0x2: {  	s15 =	rddreg [dreg:$0x1]  }
0x3: {  	s1 =	rddreg [dreg:$0x2];
	s2 =	srdreg.scid  }
0x4: {  	s3 =	simm.s32 $0x0;
	s28 =	stileid.u32;
	s16 =	simm.s32 $0x2000  }
0x5: {  	s17 =	simm.s32 $0x2;
	s19 =	simm.s32 $0x80;
	s7 =	smul.u32 $0x14000, s28  }
0x6: {  	s21 =	simm.s32 $0x1;
	s22 =	simm.s32 $0x0;
	s9 =	smul.u32 $0x50000, s28  }
0x7: {  	s5 =	sand.u32 $0x1, s2;
	[smem:$0x7FF] =	sst s3;
	s12 =	smul.u32 $0x2800, s28  }
0x8: {  	s4 =	sadd.s32 $0xB800, s0;
	s14 =	sadd.s32 $0x1800, s0;
	s6 =	smul.u32 $0x140000, s5  }
0x9: {  	_ =	strace $0x8000004A;
	s29 =	sshll.u32 s5, $0x4;
	s8 =	ssub.s32 $0x2, s5  }
0xa: {  	s11 =	smul.u32 $0x28000, s5;
	s10 =	sshrl.u32 s8, $0x1;
	s30 =	sshrl.u32 s9, $0x2  }
0xb: {  	s6 =	sadd.s32 s7, s6;
	s7 =	sor.u32 s28, s29;
	s10 =	ssub.s32 s8, s10  }
0xc: {  	s5 =	sadd.s32 s30, s1;
	s31 =	sadd.s32 s12, s11;
	s6 =	sshrl.u32 s6, $0x3  }
0xd: {  	s7 =	smul.u32 $0x2800, s7;
	s9 =	smax.u32 s10, $0x1;
	s10 =	sadd.s32 $0x4000, s5  }
0xe: {  	s11 =	sadd.s32 $0x8000, s5;
	s12 =	sadd.s32 $0xC000, s5;
	s0 =	sadd.s32 s6, s0  }
0xf: {  	s7 =	sshrl.u32 s7, $0x3;
	s8 =	sadd.s32 $0x33800, s0;
	s0 =	sadd.s32 $0x800, s31  }
0x10: {  	s13 =	sadd.s32 $0x10000, s5;
	s6 =	sadd.s32 s15, s7;
	s0 =	sshrl.u32 s0, $0x3  }
0x11: {  	v0 =	vimm.f32 $0.0e+00;
	s7 =	sadd.s32 s14, s7;
	s14 =	sadd.s32 s0, s14;
	s15 =	sadd.s32 s0, s15  }
.LBB2_1:
0x12: {  	s0 =	sand.u32 $0xFE00, s3  }
0x13: {  	s24 =	sand.u32 $0x70, s3;
	s0 =	sshrl.u32 s0, $0x2  }
0x14: {  	s23 =	simm.s32 $0x40;
	s25 =	sor.u32 s24, s0;
	s24 =	simm.s32 $0x0  }
.LBB2_2:
0x15: {  	p0 =	sne.s32 s23, $0xFFC0  }
0x16: {  	[tilespmem:s25+$0x2000] =	vst v0;
	s24 =	sadd.s32 $0x10, s24;
	s0 =	smov.u32 s23;
	s23 =	sadd.s32 $0x40, s23  }
.Ltmp0:
0x17: {  	(pc) =	sbr.rel @p0 .LBB2_2-.Ltmp0, $4  }
0x18: {  	_ = 	snop  }
0x19: {  	s0 =	sand.u32 $0xFE00, s0  }
0x1a: {  	s25 =	sand.u32 $0x70, s24;
	s0 =	sshrl.u32 s0, $0x2  }
0x1b: {  	s25 =	sor.u32 s25, s0  }
0x1c: {  	[tilespmem:s25+$0x2000] =	vst v0  }
0x1d: {  	[spmem:s5] =	stream.linear.scatter [tilespmem:s16], [sflag:$0x2], $0x4000, $0x38;
	[tilespmem:$0x1E000] =	vst v63  }
0x1e: {  	_ =	swait.ge [sflag:s17], $0x4000  }
0x1f: {  	[sflag:s17] =	ssyncset.done $0x0  }
0x20: {  	[sflag:s17] =	ssyncadd.s32 $0xFFFFC000  }
0x21: {  	[spmem:s10] =	stream.linear.scatter [tilespmem:s16], [sflag:$0x2], $0x4000, $0x38;
	[tilespmem:$0x1E000] =	vst v63  }
0x22: {  	_ =	swait.ge [sflag:s17], $0x4000  }
0x23: {  	[sflag:s17] =	ssyncset.done $0x0  }
0x24: {  	[sflag:s17] =	ssyncadd.s32 $0xFFFFC000  }
0x25: {  	[spmem:s11] =	stream.linear.scatter [tilespmem:s16], [sflag:$0x2], $0x4000, $0x38;
	[tilespmem:$0x1E000] =	vst v63  }
0x26: {  	_ =	swait.ge [sflag:s17], $0x4000  }
0x27: {  	[sflag:s17] =	ssyncset.done $0x0  }
0x28: {  	[sflag:s17] =	ssyncadd.s32 $0xFFFFC000  }
0x29: {  	[spmem:s12] =	stream.linear.scatter [tilespmem:s16], [sflag:$0x2], $0x4000, $0x38;
	[tilespmem:$0x1E000] =	vst v63  }
0x2a: {  	_ =	swait.ge [sflag:s17], $0x4000  }
0x2b: {  	[sflag:s17] =	ssyncset.done $0x0  }
0x2c: {  	[sflag:s17] =	ssyncadd.s32 $0xFFFFC000  }
0x2d: {  	[spmem:s13] =	stream.linear.scatter [tilespmem:s16], [sflag:$0x2], $0x4000, $0x38;
	[tilespmem:$0x1E000] =	vst v63  }
0x2e: {  	_ =	swait.ge [sflag:s17], $0x4000  }
0x2f: {  	[sflag:s17] =	ssyncset.done $0x0  }
0x30: {  	s0 =	simm.s32 $0x0;
	[sflag:s17] =	ssyncadd.s32 $0xFFFFC000  }
0x31: {  	[tilespmem:s0], [sflag:$0x2] =	stream.linear.gather [hbm4b:s6+s0], $0x800, $0x38;
	[tilespmem:$0x1E000] =	vst v63  }
0x32: {  	_ =	swait.ge [sflag:s17], $0x800  }
0x33: {  	[sflag:s17] =	ssyncset.done $0x0  }
0x34: {  	s2 =	simm.s32 $0x1000;
	[sflag:s17] =	ssyncadd.s32 $0xFFFFF800  }
0x35: {  	[tilespmem:s2], [sflag:$0x2] =	stream.linear.gather [hbm4b:s7+s0], $0x800, $0x38;
	[tilespmem:$0x1E000] =	vst v63  }
0x36: {  	_ =	swait.ge [sflag:s17], $0x800  }
0x37: {  	[sflag:s17] =	ssyncset.done $0x0  }
0x38: {  	[sflag:s17] =	ssyncadd.s32 $0xFFFFF800  }
0x39: {  	s23 =	sand.u32 $0x4F, s0;
	[bflag:$0x0] =	sbarrier.arrive $0xFFFF  }
0x3a: {  	[tilespmem:s16], [sflag:$0x1] =	stream.indirect.gather [hbm4b:s4+s19], $0x80, s0, s19, $0xb8;
	[tilespmem:$0x1E000] =	vst v63  }
0x3b: {  	s18 =	simm.s32 $0x6000;
	s24 =	simm.s32 $0x800;
	p0 =	sne.s32 s23, $0x0  }
0x3c: {  	[tilespmem:s18], [sflag:$0x1] =	stream.indirect.gather [hbm4b:s4+s19], $0x80, s19, s19, $0xb8;
	[tilespmem:$0x1E000] =	vst v63  }
0x3d: {  	s23 =	sand.u32 @!p0 $0x800, s24;
	s24 =	simm.s32 @!p0 $0x0;
	s28 =	simm.s32 @!p0 $0x2  }
0x3e: {  	[tilespmem:s23], [sflag:$0x2] =	stream.linear.gather @!p0 [hbm4b:s15+s24], $0x800, $0x38;
	[tilespmem:$0x1E000] =	vst v63  }
0x3f: {  	_ =	swait.ge @!p0 [sflag:s28], $0x800  }
0x40: {  	[sflag:s28] =	ssyncset.done @!p0 $0x0  }
0x41: {  	s23 =	sor.u32 @!p0 $0x1000, s23;
	[sflag:s28] =	ssyncadd.s32 @!p0 $0xFFFFF800  }
0x42: {  	[tilespmem:s23], [sflag:$0x2] =	stream.linear.gather @!p0 [hbm4b:s14+s24], $0x800, $0x38;
	[tilespmem:$0x1E000] =	vst v63  }
0x43: {  	s25 =	sadd.s32 $0x10, s15;
	s26 =	simm.s32 $0x4000;
	_ =	swait.ge @!p0 [sflag:s28], $0x800  }
0x44: {  	s29 =	simm.s32 $0x0;
	p1 =	por $0x0, $0x0;
	[sflag:s28] =	ssyncset.done @!p0 $0x0  }
0x45: {  	s29 =	sand.u32 $0x800, s29;
	[sflag:s28] =	ssyncadd.s32 @!p0 $0xFFFFF800;
	s28 =	sand.u32 $0x1E00, s0  }
0x46: {  	s23 =	simm.s32 $0x880;
	_ =	swait.ge [sflag:s21], $0x4000;
	s28 =	sshrl.u32 s28, $0x2  }
0x47: {  	s0 =	sand.u32 $0x4000, s0;
	[sflag:s21] =	ssyncset.done $0x0;
	s28 =	sor.u32 s28, s29  }
0x48: {  	s30 =	sor.u32 $0x2000, s0;
	[sflag:s21] =	ssyncadd.s32 $0xFFFFC000;
	s20 =	sor.u32 $0x1000, s28  }
0x49: {  	[spmem:s1] =	stream.indirect.scatter.add.f32 [tilespmem:s30], [sflag:$0x2], $0x80, s20, s19, $0xb8;
	[tilespmem:$0x1E000] =	vst v63  }
0x4a: {  	s24 =	simm.s32 $0x200;
	s0 =	simm.s32 @!p1 $0x100;
	_ =	swait.ge [sflag:s17], $0x4000  }
0x4b: {  	s29 =	simm.s32 $0x1;
	s31 =	sand.u32 @!p1 $0xF80, s0;
	[sflag:s17] =	ssyncset.done $0x0  }
0x4c: {  	s0 =	simm.s32 @!p1 $0x80;
	s28 =	sadd.s32 $0x10, s14;
	[sflag:s17] =	ssyncadd.s32 $0xFFFFC000  }
.LBB2_4:
0x4d: {  	[tilespmem:s30], [sflag:$0x1] =	stream.indirect.gather @!p1 [hbm4b:s4+s0], $0x80, s31, s0, $0xb8;
	[tilespmem:$0x1E000] =	vst v63  }
0x4e: {  	s0 =	sand.u32 $0x4F, s29;
	s31 =	smov.u32 s23;
	s23 =	sadd.s32 $0x80, s23  }
0x4f: {  	p1 =	sne.s32 s0, $0x0;
	p0 =	sne.s32 s23, $0x3000;
	s0 =	smov.u32 s24  }
0x50: {  	s30 =	sand.u32 @!p1 $0x800, s31;
	s2 =	simm.s32 @!p1 $0x0;
	s18 =	simm.s32 @!p1 $0x2  }
0x51: {  	[tilespmem:s30], [sflag:$0x2] =	stream.linear.gather @!p1 [hbm4b:s25+s2], $0x800, $0x38;
	[tilespmem:$0x1E000] =	vst v63  }
0x52: {  	s20 =	smov.u32 s26;
	s30 =	sor.u32 @!p1 $0x1000, s30;
	_ =	swait.ge @!p1 [sflag:s18], $0x800  }
0x53: {  	[sflag:s18] =	ssyncset.done @!p1 $0x0  }
0x54: {  	s26 =	sadd.s32 $0x4000, s26;
	[sflag:s18] =	ssyncadd.s32 @!p1 $0xFFFFF800  }
0x55: {  	[tilespmem:s30], [sflag:$0x2] =	stream.linear.gather @!p1 [hbm4b:s28+s2], $0x800, $0x38;
	[tilespmem:$0x1E000] =	vst v63  }
0x56: {  	s24 =	sadd.s32 $0x200, s24;
	s0 =	sand.u32 $0x1E00, s0;
	_ =	swait.ge @!p1 [sflag:s18], $0x800  }
0x57: {  	s25 =	sadd.s32 $0x10, s25;
	s2 =	sadd.s32 $0xFFFFF800, s31;
	[sflag:s18] =	ssyncset.done @!p1 $0x0  }
0x58: {  	s0 =	sshrl.u32 s0, $0x2;
	s2 =	sand.u32 $0x800, s2;
	[sflag:s18] =	ssyncadd.s32 @!p1 $0xFFFFF800  }
0x59: {  	s0 =	sor.u32 s0, s2;
	_ =	swait.ge [sflag:s21], $0x4000  }
0x5a: {  	s18 =	sand.u32 $0x4000, s20;
	s0 =	sor.u32 $0x1000, s0;
	[sflag:s21] =	ssyncset.done $0x0  }
.Ltmp1:
0x5b: {  	s30 =	sor.u32 $0x2000, s18;
	[sflag:s21] =	ssyncadd.s32 $0xFFFFC000;
	(pc) =	sbr.rel @p0 .LBB2_4-.Ltmp1, $4  }
0x5c: {  	[spmem:s1] =	stream.indirect.scatter.add.f32 [tilespmem:s30], [sflag:$0x2], $0x80, s0, s19, $0xb8;
	[tilespmem:$0x1E000] =	vst v63  }
0x5d: {  	s28 =	sadd.s32 $0x10, s28;
	p1 =	sgt.u32 s29, $0x4D;
	_ =	swait.ge [sflag:s17], $0x4000  }
0x5e: {  	s29 =	sadd.s32 $0x1, s29;
	s0 =	sadd.s32 @!p1 $0xFFFFF900, s31;
	[sflag:s17] =	ssyncset.done $0x0  }
0x5f: {  	s31 =	sand.u32 @!p1 $0xF80, s0;
	s0 =	simm.s32 @!p1 $0x80;
	[sflag:s17] =	ssyncadd.s32 $0xFFFFC000  }
0x60: {  	[tilespmem:s30], [sflag:$0x1] =	stream.indirect.gather @!p1 [hbm4b:s4+s0], $0x80, s31, s0, $0xb8;
	[tilespmem:$0x1E000] =	vst v63  }
0x61: {  	s31 =	stileid.u32;
	s22 =	sadd.s32 $0x1, s22  }
0x62: {  	s2 =	sshrl.u32 s5, $0x3;
	s0 =	sshll.u32 s31, $0x6;
	p0 =	sne.s32 s22, s9  }
.Ltmp2:
0x63: {  	[bflag:$0x0] =	sbarrier.arrive $0xFFFF;
	s0 =	sor.u32 $0x1C02, s0;
	(pc) =	sbr.rel @p0 .LBB2_1-.Ltmp2, $4  }
0x64: {  	[hbm:s8], [sflag:s0] =	dma.local [spmem:s2], $0x2800  }
0x65: {  	_ =	swait.ge [sflag:s17], $0x2800  }
0x66: {  	[sflag:s17] =	ssyncset.done $0x0  }
0x67: {  	[sflag:s17] =	ssyncadd.s32 $0xFFFFD800  }
0x68: {  	_ =	sfence.sel $0x180000  }
0x69: {  	[bflag:$0x0] =	sbarrier.arrive $0xFFFF  }
0x6a: {  	_ =	strace $0x9000004A  }
0x6b: {  	s0 =	stileid.u32;
	[bflag:$0x2] =	sbarrier.arrive $0xFFFF  }
0x6c: {  	p0 =	sne.s32 s0, $0x0;
	s0 =	rddreg [dreg:$0x3]  }
0x6d: {  	s0 =	sadd.s32 @!p0 $0x100000, s0  }
0x6e: {  	[sflag:s0] =	ssyncadd.tile.s32 @!p0 $0x1;
	_ =	shalt  }
.Lfunc_end2:
_tile_overlayer_lowered:
.L_overlay_start_2:
0x6f: {  	(tag) =	ssettag $0x2  }
0x70: {  	s0 =	rddreg [dreg:$0x0];
	s2 =	stileid.u32  }
0x71: {  	s1 =	rddreg [dreg:$0x1];
	p0 =	sne.s32 s2, $0x0  }
0x72: {  	s3 =	rddreg [dreg:$0x2];
	[bflag:$0x3] =	sbarrier.arrive $0xFFFF;
	s2 =	simm.s32 @!p0 $0x1C02  }
0x73: {  	[timem:s3], [sflag:s2] =	dma.local @!p0 [hbm:s0], s1  }
0x74: {  	s0 =	simm.s32 @!p0 $0x2  }
0x75: {  	_ =	swait.ge @!p0 [sflag:s0], s1  }
0x76: {  	s1 =	ssub.s32 @!p0 $0x0, s1;
	[sflag:s0] =	ssyncset.done @!p0 $0x0  }
0x77: {  	[sflag:s0] =	ssyncadd.s32 @!p0 s1  }
0x78: {  	[bflag:$0x3] =	sbarrier.arrive $0xFFFF  }
0x79: {  	_ =	shalt  }

</sc_bundles>
